<compile_context>
chip_gen: v7x
topology: tpu7x:2x2x1
jax: 0.10.2.dev20260603
libtpu: 0.0.44.dev20260713+nightly
codegen_flags: <defaults>
</compile_context>

<pallas_src>
import functools

import numpy as np
import jax
import jax.numpy as jnp
from jax import lax
from jax.experimental import pallas as pl
from jax.experimental.pallas import tpu as pltpu
from jax.experimental.pallas import tpu_sc as plsc

_COEFF = (0.02817, 0.28022, 0.50986, 0.18175)
_EXPO = (0.20162, 0.4029, 0.94229, 3.1998)
_EXPO_A = 0.23
_A0 = 0.4685
_R_INNER = 0.5
_R_OUTER = 2.0
_PREFIX = 14.399645478425668

_N_NODES = 100000
_N_EDGES = 6400000

_NS = 16
_NC = 2
_NW = _NC * _NS
_EDGES_PER_TILE = _N_EDGES // _NW
_CHUNK = 4000
_N_CHUNKS = _EDGES_PER_TILE // _CHUNK
_NODES_PAD = 100352
_NODE_SLICE = _NODES_PAD // _NS
_TBL = 8192
_SPK_W = _N_NODES // 4


def _build_tables():
    coeff = np.array(_COEFF, dtype=np.float64)
    expo = np.array(_EXPO, dtype=np.float64)
    s = np.arange(90, dtype=np.float64)
    zp = s ** _EXPO_A
    u = zp[:, None] + zp[None, :]
    u[0, 0] = 1.0
    inv_a = u / _A0
    x = _R_OUTER * inv_a
    e = np.exp(-expo[:, None, None] * x[None])
    phi = (coeff[:, None, None] * e).sum(0)
    dphi = (coeff[:, None, None] * (-expo[:, None, None] * inv_a[None]) * e).sum(0)
    d2phi = (coeff[:, None, None] * (expo[:, None, None] * inv_a[None]) ** 2 * e).sum(0)
    ro = _R_OUTER
    zble = phi / ro
    dz = (1.0 / ro) * (-phi / ro + dphi)
    d2z = (1.0 / ro) * (d2phi - 2.0 * dphi / ro + 2.0 * phi / ro ** 2)
    tc = ro - _R_INNER
    c = -zble + tc / 2.0 * dz - (1.0 / 12.0) * tc ** 2 * d2z
    b4 = (2.0 * dz - tc * d2z) / tc ** 3 / 4.0
    a3 = (-3.0 * dz + tc * d2z) / tc ** 2 / 3.0

    def pad(t):
        out = np.zeros((_TBL,), dtype=np.float32)
        out[: 90 * 90] = t.astype(np.float32).reshape(-1)
        return out

    return pad(inv_a), pad(c), pad(a3), pad(b4)


_T_IA, _T_C, _T_A3, _T_B4 = _build_tables()


def _zbl_body(r_hbm, pf_hbm, ps_hbm, spk_hbm, tia_hbm, tc_hbm, ta3_hbm, tb4_hbm,
              zer_hbm, pout_hbm, partial_hbm,
              spk_v, tia_v, tc_v, ta3_v, tb4_v,
              r_v0, pf_v0, ps_v0, out_v0, r_v1, pf_v1, ps_v1, out_v1, atoms_sh,
              sem_in0, sem_in1, sem_po0, sem_po1, sem_sc):
    cid = lax.axis_index("c")
    sid = lax.axis_index("s")
    wid = cid * _NS + sid
    tile_base = wid * _EDGES_PER_TILE

    pltpu.sync_copy(spk_hbm, spk_v)
    pltpu.sync_copy(tia_hbm, tia_v)
    pltpu.sync_copy(tc_hbm, tc_v)
    pltpu.sync_copy(ta3_hbm, ta3_v)
    pltpu.sync_copy(tb4_hbm, tb4_v)
    pltpu.sync_copy(zer_hbm, atoms_sh.at[pl.ds(sid * _NODE_SLICE, _NODE_SLICE)])
    plsc.subcore_barrier()

    c0, c1, c2, c3 = (jnp.float32(v) for v in _COEFF)
    e0, e1, e2, e3 = (jnp.float32(v) for v in _EXPO)

    slots = ((r_v0, pf_v0, ps_v0, out_v0, sem_in0, sem_po0),
             (r_v1, pf_v1, ps_v1, out_v1, sem_in1, sem_po1))

    def start_in(c, sl):
        rv, pfv, psv, _, si, _ = slots[sl]
        base = tile_base + c * _CHUNK
        pltpu.async_copy(r_hbm.at[pl.ds(base, _CHUNK)], rv, si)
        pltpu.async_copy(pf_hbm.at[pl.ds(base, _CHUNK)], pfv, si)
        pltpu.async_copy(ps_hbm.at[pl.ds(base, _CHUNK)], psv, si)

    def wait_in(sl):
        rv, pfv, psv, _, si, _ = slots[sl]
        pltpu.make_async_copy(r_hbm.at[pl.ds(0, _CHUNK)], rv, si).wait()
        pltpu.make_async_copy(pf_hbm.at[pl.ds(0, _CHUNK)], pfv, si).wait()
        pltpu.make_async_copy(ps_hbm.at[pl.ds(0, _CHUNK)], psv, si).wait()

    def start_pout(c, sl):
        _, _, _, ov, _, so = slots[sl]
        base = tile_base + c * _CHUNK
        pltpu.async_copy(ov, pout_hbm.at[pl.ds(base, _CHUNK)], so)

    def wait_pout(sl):
        _, _, _, ov, _, so = slots[sl]
        pltpu.make_async_copy(ov, pout_hbm.at[pl.ds(0, _CHUNK)], so).wait()

    def start_scat(sl):
        _, pfv, _, ov, _, _ = slots[sl]
        pltpu.async_copy(ov, atoms_sh.at[pfv], sem_sc, add=True)

    def wait_scat(sl):
        _, pfv, _, ov, _, _ = slots[sl]
        pltpu.make_async_copy(ov, atoms_sh.at[pfv], sem_sc).wait()

    def vec_compute(sl, off):
        rv, pfv, psv, ov, _, _ = slots[sl]
        r16x = rv[pl.ds(off, 16)]
        ov[pl.ds(off, 16)] = r16x + jnp.float32(1.0)
        return
        pf16 = pfv[pl.ds(off, 16)]
        ps16 = psv[pl.ds(off, 16)]
        r16 = rv[pl.ds(off, 16)]
        wi = plsc.load_gather(spk_v, [pf16 >> 2])
        wj = plsc.load_gather(spk_v, [ps16 >> 2])
        si = (wi >> ((pf16 & 3) << 3)) & 0xFF
        sj = (wj >> ((ps16 & 3) << 3)) & 0xFF
        pidx = si * 90 + sj
        ia = plsc.load_gather(tia_v, [pidx])
        cc = plsc.load_gather(tc_v, [pidx])
        a3 = plsc.load_gather(ta3_v, [pidx])
        b4 = plsc.load_gather(tb4_v, [pidx])
        zz = jnp.float32(_PREFIX) * si.astype(jnp.float32) * sj.astype(jnp.float32)
        x = r16 * ia
        phi = (c0 * jnp.exp(-e0 * x) + c1 * jnp.exp(-e1 * x)
               + c2 * jnp.exp(-e2 * x) + c3 * jnp.exp(-e3 * x))
        t = r16 - jnp.float32(_R_INNER)
        o2 = zz * (phi / r16 + cc + t * t * t * (a3 + b4 * t))
        o1 = zz * cc
        res = jnp.where(r16 > jnp.float32(_R_OUTER), jnp.float32(0.0),
                        jnp.where(r16 < jnp.float32(_R_INNER), o1, o2))
        ov[pl.ds(off, 16)] = res

    def compute(sl):
        @plsc.parallel_loop(0, _CHUNK // 16, step=1, unroll=10)
        def _(i):
            vec_compute(sl, i * 16)

    def pair_body(g, carry):
        a = 2 * g

        @pl.when(g > 0)
        def _():
            wait_scat(1)

        start_in(a + 1, 1)
        wait_in(0)

        @pl.when(g > 0)
        def _():
            wait_pout(0)

        compute(0)
        start_pout(a, 0)
        start_scat(0)
        wait_in(1)

        @pl.when(g > 0)
        def _():
            wait_pout(1)

        compute(1)
        wait_scat(0)
        start_pout(a + 1, 1)
        start_scat(1)

        @pl.when(g < _N_CHUNKS // 2 - 1)
        def _():
            start_in(a + 2, 0)
        return carry

    start_in(0, 0)
    lax.fori_loop(0, _N_CHUNKS // 2, pair_body, 0)
    wait_scat(1)
    wait_pout(0)
    wait_pout(1)
    plsc.subcore_barrier()
    pltpu.sync_copy(atoms_sh.at[pl.ds(sid * _NODE_SLICE, _NODE_SLICE)],
                    partial_hbm.at[cid, pl.ds(sid * _NODE_SLICE, _NODE_SLICE)])


def _combine_body(p_ref, o_ref):
    o_ref[...] = p_ref[0] + p_ref[1]


@jax.jit
def kernel(r, pair_first, pair_second, species):
    spv = species.reshape(_SPK_W, 4)
    spk = (spv[:, 0] | (spv[:, 1] << 8) | (spv[:, 2] << 16) | (spv[:, 3] << 24)).astype(jnp.int32)
    zer = jnp.zeros((_NODE_SLICE,), jnp.float32)

    mesh = plsc.VectorSubcoreMesh(core_axis_name="c", subcore_axis_name="s",
                                  num_cores=_NC, num_subcores=_NS)
    zbl = pl.kernel(
        _zbl_body,
        out_type=[
            jax.ShapeDtypeStruct((_N_EDGES,), jnp.float32),
            jax.ShapeDtypeStruct((_NC, _NODES_PAD), jnp.float32),
        ],
        mesh=mesh,
        compiler_params=pltpu.CompilerParams(needs_layout_passes=False),
        scratch_types=[
            pltpu.VMEM((_SPK_W,), jnp.int32),
            pltpu.VMEM((_TBL,), jnp.float32),
            pltpu.VMEM((_TBL,), jnp.float32),
            pltpu.VMEM((_TBL,), jnp.float32),
            pltpu.VMEM((_TBL,), jnp.float32),
            pltpu.VMEM((_CHUNK,), jnp.float32),
            pltpu.VMEM((_CHUNK,), jnp.int32),
            pltpu.VMEM((_CHUNK,), jnp.int32),
            pltpu.VMEM((_CHUNK,), jnp.float32),
            pltpu.VMEM((_CHUNK,), jnp.float32),
            pltpu.VMEM((_CHUNK,), jnp.int32),
            pltpu.VMEM((_CHUNK,), jnp.int32),
            pltpu.VMEM((_CHUNK,), jnp.float32),
            pltpu.VMEM_SHARED((_NODES_PAD,), jnp.float32),
            pltpu.SemaphoreType.DMA,
            pltpu.SemaphoreType.DMA,
            pltpu.SemaphoreType.DMA,
            pltpu.SemaphoreType.DMA,
            pltpu.SemaphoreType.DMA,
        ],
    )
    pair_output, partial = zbl(r, pair_first, pair_second, spk,
                         jnp.asarray(_T_IA), jnp.asarray(_T_C),
                         jnp.asarray(_T_A3), jnp.asarray(_T_B4), zer)

    atom_pad = pl.pallas_call(
        _combine_body,
        out_shape=jax.ShapeDtypeStruct((784, 128), jnp.float32),
    )(partial.reshape(_NC, 784, 128))

    atom_output = atom_pad.reshape(-1)[:_N_NODES]
    return (pair_output, atom_output)

# --- scband reference (transcript-rebuilt; emitter-appended) ---
"""Pipeline reference for scband-zblpotential-74990128988546 (READ-ONLY COPY).

The authoritative reference and input builder live on the scoring server;
editing this copy changes nothing except your own understanding.
"""

import jax, jax.numpy as jnp
import numpy as np

COEFF = jnp.array([0.02817, 0.28022, 0.50986, 0.18175], dtype=jnp.float32)
EXPO = jnp.array([0.20162, 0.4029, 0.94229, 3.1998], dtype=jnp.float32)
EXPO_A = 0.23
A0 = 0.4685
R_INNER = 0.5
R_OUTER = 2.0
PREFIX = 14.399645478425668

N_NODES = 100000
N_EDGES = 6400000


def _phi(r, a):
    x = jnp.asarray(r / a)
    return jnp.sum(COEFF[:, None] * jnp.exp(-EXPO[:, None] * x[None, :]), axis=0)


def _dphidr(r, a):
    x = jnp.asarray(r / a)
    return jnp.sum(COEFF[:, None] * (-EXPO[:, None] / a[None, :]) * jnp.exp(-EXPO[:, None] * x[None, :]), axis=0)


def _d2phidr2(r, a):
    x = jnp.asarray(r / a)
    return jnp.sum(COEFF[:, None] * (EXPO[:, None] / a[None, :]) ** 2 * jnp.exp(-EXPO[:, None] * x[None, :]), axis=0)


def _zble(r, a):
    return (1.0 / r) * _phi(r, a)


def _dzbledr(r, a):
    Phi = _phi(r, a)
    dPhi = _dphidr(r, a)
    return (1.0 / r) * (-Phi / r + dPhi)


def _d2zbledr2(r, a):
    Phi = _phi(r, a)
    dPhi = _dphidr(r, a)
    dPhi2 = _d2phidr2(r, a)
    return (1.0 / r) * (dPhi2 - 2.0 * dPhi * (1.0 / r) + 2.0 * Phi * (1.0 / r) ** 2)


def setup_inputs(seed: int = 0) -> dict:
    key = jax.random.key(seed)
    k0, k1, k2, k3 = jax.random.split(key, 4)
    # distances strictly positive, spanning inner/outer cutoffs
    r = jax.random.uniform(k0, (N_EDGES,), dtype=jnp.float32, minval=0.1, maxval=3.0)
    pair_first = jax.random.randint(k1, (N_EDGES,), 0, N_NODES)
    pair_second = jax.random.randint(k2, (N_EDGES,), 0, N_NODES)
    species = jax.random.randint(k3, (N_NODES,), 1, 90)
    return {"r": r, "pair_first": pair_first, "pair_second": pair_second, "species": species}


def reference(r, pair_first, pair_second, species):
    zi = jnp.squeeze(jnp.take(species, pair_first, axis=0)).astype(jnp.float32)
    zj = jnp.squeeze(jnp.take(species, pair_second, axis=0)).astype(jnp.float32)
    zizj = PREFIX * zi * zj
    a = A0 / (zi ** EXPO_A + zj ** EXPO_A)
    tc = R_OUTER - R_INNER
    C = -_zble(R_OUTER, a) + tc / 2.0 * _dzbledr(R_OUTER, a) - (1.0 / 12.0) * tc ** 2 * _d2zbledr2(R_OUTER, a)
    B = (2.0 * _dzbledr(R_OUTER, a) - tc * _d2zbledr2(R_OUTER, a)) / tc ** 3
    A = (-3.0 * _dzbledr(R_OUTER, a) + tc * _d2zbledr2(R_OUTER, a)) / tc ** 2
    option_0 = jnp.zeros_like(r)
    option_1 = zizj * C
    option_2 = zizj * (_zble(r, a) + A / 3.0 * (r - R_INNER) ** 3 + B / 4.0 * (r - R_INNER) ** 4 + C)
    pair_output = jnp.where(r > R_OUTER, option_0, jnp.where(r < R_INNER, option_1, option_2))
    atom_output = jnp.zeros((species.shape[0],), dtype=pair_output.dtype).at[pair_first].add(pair_output)
    return (pair_output, atom_output)

if __name__ == "__main__":
    import jax
    _d = setup_inputs()
    print(jax.jit(kernel)(*tuple(_d.values())))

</pallas_src>

<mosaic_0001>
#map = affine_map<(d0, d1) -> (0)>
#map1 = affine_map<(d0, d1) -> (0, 0)>
module attributes {stable_mosaic.version = 14 : i64} {
  func.func @_zbl_body(%arg0: i32, %arg1: i32, %arg2: memref<6400000xf32, #tpu.memory_space<hbm>>, %arg3: memref<6400000xi32, #tpu.memory_space<hbm>>, %arg4: memref<6400000xi32, #tpu.memory_space<hbm>>, %arg5: memref<25000xi32, #tpu.memory_space<hbm>>, %arg6: memref<8192xf32, #tpu.memory_space<hbm>>, %arg7: memref<8192xf32, #tpu.memory_space<hbm>>, %arg8: memref<8192xf32, #tpu.memory_space<hbm>>, %arg9: memref<8192xf32, #tpu.memory_space<hbm>>, %arg10: memref<6272xf32, #tpu.memory_space<hbm>>, %arg11: memref<6400000xf32, #tpu.memory_space<hbm>>, %arg12: memref<2x100352xf32, #tpu.memory_space<hbm>>, %arg13: memref<25000xi32, #tpu.memory_space<vmem>>, %arg14: memref<8192xf32, #tpu.memory_space<vmem>>, %arg15: memref<8192xf32, #tpu.memory_space<vmem>>, %arg16: memref<8192xf32, #tpu.memory_space<vmem>>, %arg17: memref<8192xf32, #tpu.memory_space<vmem>>, %arg18: memref<4000xf32, #tpu.memory_space<vmem>>, %arg19: memref<4000xi32, #tpu.memory_space<vmem>>, %arg20: memref<4000xi32, #tpu.memory_space<vmem>>, %arg21: memref<4000xf32, #tpu.memory_space<vmem>>, %arg22: memref<4000xf32, #tpu.memory_space<vmem>>, %arg23: memref<4000xi32, #tpu.memory_space<vmem>>, %arg24: memref<4000xi32, #tpu.memory_space<vmem>>, %arg25: memref<4000xf32, #tpu.memory_space<vmem>>, %arg26: memref<100352xf32, #tpu.memory_space<vmem_shared>>, %arg27: memref<!tpu.dma_semaphore, #tpu.memory_space<semaphore_mem>>, %arg28: memref<!tpu.dma_semaphore, #tpu.memory_space<semaphore_mem>>, %arg29: memref<!tpu.dma_semaphore, #tpu.memory_space<semaphore_mem>>, %arg30: memref<!tpu.dma_semaphore, #tpu.memory_space<semaphore_mem>>, %arg31: memref<!tpu.dma_semaphore, #tpu.memory_space<semaphore_mem>>) attributes {dimension_semantics = [#tpu.dimension_semantics<core_parallel>, #tpu.dimension_semantics<subcore_parallel>], iteration_bounds = array<i64: 2, 16>, scalar_prefetch = 0 : i64, scratch_operands = 19 : i64, tpu.core_type = #tpu.core_type<sc_vector_subcore>, window_params = [{transform_indices = #map}, {transform_indices = #map}, {transform_indices = #map}, {transform_indices = #map}, {transform_indices = #map}, {transform_indices = #map}, {transform_indices = #map}, {transform_indices = #map}, {transform_indices = #map}, {transform_indices = #map}, {transform_indices = #map1}]} {
    %mul3A = arith.constant 16 : i32
    %mul3A_0 = arith.muli %arg0, %mul3A : i32
    %add3A = arith.addi %mul3A_0, %arg1 : i32
    %mul3A_1 = arith.constant 200000 : i32
    %mul3A_2 = arith.muli %add3A, %mul3A_1 : i32
    "tpu.region"() ({
      %run_scoped3A = tpu.sem_alloc : memref<!tpu.dma_semaphore, #tpu.memory_space<semaphore_mem>>
      tpu.enqueue_dma source(%arg5 : memref<25000xi32, #tpu.memory_space<hbm>>) target(%arg13 : memref<25000xi32, #tpu.memory_space<vmem>>) target_semaphore(%run_scoped3A : memref<!tpu.dma_semaphore, #tpu.memory_space<semaphore_mem>>)
      tpu.wait_dma2 semaphore(%run_scoped3A : memref<!tpu.dma_semaphore, #tpu.memory_space<semaphore_mem>>) src(%arg5 : memref<25000xi32, #tpu.memory_space<hbm>>) dst(%arg13 : memref<25000xi32, #tpu.memory_space<vmem>>)
      tpu.yield
    }) : () -> ()
    "tpu.region"() ({
      %run_scoped3A = tpu.sem_alloc : memref<!tpu.dma_semaphore, #tpu.memory_space<semaphore_mem>>
      tpu.enqueue_dma source(%arg6 : memref<8192xf32, #tpu.memory_space<hbm>>) target(%arg14 : memref<8192xf32, #tpu.memory_space<vmem>>) target_semaphore(%run_scoped3A : memref<!tpu.dma_semaphore, #tpu.memory_space<semaphore_mem>>)
      tpu.wait_dma2 semaphore(%run_scoped3A : memref<!tpu.dma_semaphore, #tpu.memory_space<semaphore_mem>>) src(%arg6 : memref<8192xf32, #tpu.memory_space<hbm>>) dst(%arg14 : memref<8192xf32, #tpu.memory_space<vmem>>)
      tpu.yield
    }) : () -> ()
    "tpu.region"() ({
      %run_scoped3A = tpu.sem_alloc : memref<!tpu.dma_semaphore, #tpu.memory_space<semaphore_mem>>
      tpu.enqueue_dma source(%arg7 : memref<8192xf32, #tpu.memory_space<hbm>>) target(%arg15 : memref<8192xf32, #tpu.memory_space<vmem>>) target_semaphore(%run_scoped3A : memref<!tpu.dma_semaphore, #tpu.memory_space<semaphore_mem>>)
      tpu.wait_dma2 semaphore(%run_scoped3A : memref<!tpu.dma_semaphore, #tpu.memory_space<semaphore_mem>>) src(%arg7 : memref<8192xf32, #tpu.memory_space<hbm>>) dst(%arg15 : memref<8192xf32, #tpu.memory_space<vmem>>)
      tpu.yield
    }) : () -> ()
    "tpu.region"() ({
      %run_scoped3A = tpu.sem_alloc : memref<!tpu.dma_semaphore, #tpu.memory_space<semaphore_mem>>
      tpu.enqueue_dma source(%arg8 : memref<8192xf32, #tpu.memory_space<hbm>>) target(%arg16 : memref<8192xf32, #tpu.memory_space<vmem>>) target_semaphore(%run_scoped3A : memref<!tpu.dma_semaphore, #tpu.memory_space<semaphore_mem>>)
      tpu.wait_dma2 semaphore(%run_scoped3A : memref<!tpu.dma_semaphore, #tpu.memory_space<semaphore_mem>>) src(%arg8 : memref<8192xf32, #tpu.memory_space<hbm>>) dst(%arg16 : memref<8192xf32, #tpu.memory_space<vmem>>)
      tpu.yield
    }) : () -> ()
    "tpu.region"() ({
      %run_scoped3A = tpu.sem_alloc : memref<!tpu.dma_semaphore, #tpu.memory_space<semaphore_mem>>
      tpu.enqueue_dma source(%arg9 : memref<8192xf32, #tpu.memory_space<hbm>>) target(%arg17 : memref<8192xf32, #tpu.memory_space<vmem>>) target_semaphore(%run_scoped3A : memref<!tpu.dma_semaphore, #tpu.memory_space<semaphore_mem>>)
      tpu.wait_dma2 semaphore(%run_scoped3A : memref<!tpu.dma_semaphore, #tpu.memory_space<semaphore_mem>>) src(%arg9 : memref<8192xf32, #tpu.memory_space<hbm>>) dst(%arg17 : memref<8192xf32, #tpu.memory_space<vmem>>)
      tpu.yield
    }) : () -> ()
    %mul3A_3 = arith.constant 6272 : i32
    %mul3A_4 = arith.muli %arg1, %mul3A_3 : i32
    "tpu.region"() ({
      %run_scoped3A = tpu.sem_alloc : memref<!tpu.dma_semaphore, #tpu.memory_space<semaphore_mem>>
      %dma_start3A_31 = tpu.memref_slice %arg26[%mul3A_4] : memref<100352xf32, #tpu.memory_space<vmem_shared>> -> memref<6272xf32, #tpu.memory_space<vmem_shared>>
      tpu.enqueue_dma source(%arg10 : memref<6272xf32, #tpu.memory_space<hbm>>) target(%dma_start3A_31 : memref<6272xf32, #tpu.memory_space<vmem_shared>>) target_semaphore(%run_scoped3A : memref<!tpu.dma_semaphore, #tpu.memory_space<semaphore_mem>>)
      %dma_wait3A_32 = tpu.memref_slice %arg26[%mul3A_4] : memref<100352xf32, #tpu.memory_space<vmem_shared>> -> memref<6272xf32, #tpu.memory_space<vmem_shared>>
      tpu.wait_dma2 semaphore(%run_scoped3A : memref<!tpu.dma_semaphore, #tpu.memory_space<semaphore_mem>>) src(%arg10 : memref<6272xf32, #tpu.memory_space<hbm>>) dst(%dma_wait3A_32 : memref<6272xf32, #tpu.memory_space<vmem_shared>>)
      tpu.yield
    }) : () -> ()
    %barrier3A = arith.constant 0 : index
    tpu.barrier barrier_id(%barrier3A)
    %add3A_5 = arith.constant 0 : i32
    %add3A_6 = arith.addi %mul3A_2, %add3A_5 : i32
    %dma_start3A = tpu.memref_slice %arg2[%add3A_6] : memref<6400000xf32, #tpu.memory_space<hbm>> -> memref<4000xf32, #tpu.memory_space<hbm>>
    %dma_start3A_7 = tpu.memref_slice %arg2[%add3A_6] : memref<6400000xf32, #tpu.memory_space<hbm>> -> memref<4000xf32, #tpu.memory_space<hbm>>
    tpu.enqueue_dma source(%dma_start3A_7 : memref<4000xf32, #tpu.memory_space<hbm>>) target(%arg18 : memref<4000xf32, #tpu.memory_space<vmem>>) target_semaphore(%arg27 : memref<!tpu.dma_semaphore, #tpu.memory_space<semaphore_mem>>)
    %dma_start3A_8 = tpu.memref_slice %arg3[%add3A_6] : memref<6400000xi32, #tpu.memory_space<hbm>> -> memref<4000xi32, #tpu.memory_space<hbm>>
    %dma_start3A_9 = tpu.memref_slice %arg3[%add3A_6] : memref<6400000xi32, #tpu.memory_space<hbm>> -> memref<4000xi32, #tpu.memory_space<hbm>>
    tpu.enqueue_dma source(%dma_start3A_9 : memref<4000xi32, #tpu.memory_space<hbm>>) target(%arg19 : memref<4000xi32, #tpu.memory_space<vmem>>) target_semaphore(%arg27 : memref<!tpu.dma_semaphore, #tpu.memory_space<semaphore_mem>>)
    %dma_start3A_10 = tpu.memref_slice %arg4[%add3A_6] : memref<6400000xi32, #tpu.memory_space<hbm>> -> memref<4000xi32, #tpu.memory_space<hbm>>
    %dma_start3A_11 = tpu.memref_slice %arg4[%add3A_6] : memref<6400000xi32, #tpu.memory_space<hbm>> -> memref<4000xi32, #tpu.memory_space<hbm>>
    tpu.enqueue_dma source(%dma_start3A_11 : memref<4000xi32, #tpu.memory_space<hbm>>) target(%arg20 : memref<4000xi32, #tpu.memory_space<vmem>>) target_semaphore(%arg27 : memref<!tpu.dma_semaphore, #tpu.memory_space<semaphore_mem>>)
    %scan3A = arith.constant 0 : i32
    %scan3A_12 = arith.constant 0 : i32
    %scan3A_13 = arith.constant 25 : i32
    %scan3A_14 = arith.addi %scan3A_12, %scan3A_13 : i32
    %scan3A_15 = arith.constant 1 : i32
    scf.for %scan3A_31 = %scan3A_12 to %scan3A_14 step %scan3A_15  : i32 {
      %mul3A_32 = arith.constant 2 : i32
      %mul3A_33 = arith.muli %mul3A_32, %scan3A_31 : i32
      %gt3A = arith.constant 0 : i32
      %gt3A_34 = arith.cmpi sgt, %scan3A_31, %gt3A : i32
      %convert_element_type3A = arith.extui %gt3A_34 : i1 to i32
      %cond3A = arith.constant 0 : i32
      %cond3A_35 = arith.cmpi ne, %convert_element_type3A, %cond3A : i32
      scf.if %cond3A_35 {
        %dma_wait3A_108 = arith.constant 0 : i32
        %dma_wait3A_109 = tpu.memref_slice %arg26[%dma_wait3A_108] : memref<100352xf32, #tpu.memory_space<vmem_shared>> -> memref<100352xf32, #tpu.memory_space<vmem_shared>>
        tpu.wait_indirect_dma semaphore(%arg31 : memref<!tpu.dma_semaphore, #tpu.memory_space<semaphore_mem>>) src(%arg25 : memref<4000xf32, #tpu.memory_space<vmem>>) dst(%dma_wait3A_109 : memref<100352xf32, #tpu.memory_space<vmem_shared>>)
      } else {
      }
      %add3A_36 = arith.constant 1 : i32
      %add3A_37 = arith.addi %mul3A_33, %add3A_36 : i32
      %mul3A_38 = arith.constant 4000 : i32
      %mul3A_39 = arith.muli %add3A_37, %mul3A_38 : i32
      %add3A_40 = arith.addi %mul3A_2, %mul3A_39 : i32
      %dma_start3A_41 = tpu.memref_slice %arg2[%add3A_40] : memref<6400000xf32, #tpu.memory_space<hbm>> -> memref<4000xf32, #tpu.memory_space<hbm>>
      %dma_start3A_42 = tpu.memref_slice %arg2[%add3A_40] : memref<6400000xf32, #tpu.memory_space<hbm>> -> memref<4000xf32, #tpu.memory_space<hbm>>
      tpu.enqueue_dma source(%dma_start3A_42 : memref<4000xf32, #tpu.memory_space<hbm>>) target(%arg22 : memref<4000xf32, #tpu.memory_space<vmem>>) target_semaphore(%arg28 : memref<!tpu.dma_semaphore, #tpu.memory_space<semaphore_mem>>)
      %dma_start3A_43 = tpu.memref_slice %arg3[%add3A_40] : memref<6400000xi32, #tpu.memory_space<hbm>> -> memref<4000xi32, #tpu.memory_space<hbm>>
      %dma_start3A_44 = tpu.memref_slice %arg3[%add3A_40] : memref<6400000xi32, #tpu.memory_space<hbm>> -> memref<4000xi32, #tpu.memory_space<hbm>>
      tpu.enqueue_dma source(%dma_start3A_44 : memref<4000xi32, #tpu.memory_space<hbm>>) target(%arg23 : memref<4000xi32, #tpu.memory_space<vmem>>) target_semaphore(%arg28 : memref<!tpu.dma_semaphore, #tpu.memory_space<semaphore_mem>>)
      %dma_start3A_45 = tpu.memref_slice %arg4[%add3A_40] : memref<6400000xi32, #tpu.memory_space<hbm>> -> memref<4000xi32, #tpu.memory_space<hbm>>
      %dma_start3A_46 = tpu.memref_slice %arg4[%add3A_40] : memref<6400000xi32, #tpu.memory_space<hbm>> -> memref<4000xi32, #tpu.memory_space<hbm>>
      tpu.enqueue_dma source(%dma_start3A_46 : memref<4000xi32, #tpu.memory_space<hbm>>) target(%arg24 : memref<4000xi32, #tpu.memory_space<vmem>>) target_semaphore(%arg28 : memref<!tpu.dma_semaphore, #tpu.memory_space<semaphore_mem>>)
      %dma_wait3A_47 = arith.constant 0 : i32
      %dma_wait3A_48 = tpu.memref_slice %arg2[%dma_wait3A_47] : memref<6400000xf32, #tpu.memory_space<hbm>> -> memref<4000xf32, #tpu.memory_space<hbm>>
      %dma_wait3A_49 = arith.constant 0 : i32
      %dma_wait3A_50 = tpu.memref_slice %arg2[%dma_wait3A_49] : memref<6400000xf32, #tpu.memory_space<hbm>> -> memref<4000xf32, #tpu.memory_space<hbm>>
      tpu.wait_dma2 semaphore(%arg27 : memref<!tpu.dma_semaphore, #tpu.memory_space<semaphore_mem>>) src(%dma_wait3A_50 : memref<4000xf32, #tpu.memory_space<hbm>>) dst(%arg18 : memref<4000xf32, #tpu.memory_space<vmem>>)
      %dma_wait3A_51 = arith.constant 0 : i32
      %dma_wait3A_52 = tpu.memref_slice %arg3[%dma_wait3A_51] : memref<6400000xi32, #tpu.memory_space<hbm>> -> memref<4000xi32, #tpu.memory_space<hbm>>
      %dma_wait3A_53 = arith.constant 0 : i32
      %dma_wait3A_54 = tpu.memref_slice %arg3[%dma_wait3A_53] : memref<6400000xi32, #tpu.memory_space<hbm>> -> memref<4000xi32, #tpu.memory_space<hbm>>
      tpu.wait_dma2 semaphore(%arg27 : memref<!tpu.dma_semaphore, #tpu.memory_space<semaphore_mem>>) src(%dma_wait3A_54 : memref<4000xi32, #tpu.memory_space<hbm>>) dst(%arg19 : memref<4000xi32, #tpu.memory_space<vmem>>)
      %dma_wait3A_55 = arith.constant 0 : i32
      %dma_wait3A_56 = tpu.memref_slice %arg4[%dma_wait3A_55] : memref<6400000xi32, #tpu.memory_space<hbm>> -> memref<4000xi32, #tpu.memory_space<hbm>>
      %dma_wait3A_57 = arith.constant 0 : i32
      %dma_wait3A_58 = tpu.memref_slice %arg4[%dma_wait3A_57] : memref<6400000xi32, #tpu.memory_space<hbm>> -> memref<4000xi32, #tpu.memory_space<hbm>>
      tpu.wait_dma2 semaphore(%arg27 : memref<!tpu.dma_semaphore, #tpu.memory_space<semaphore_mem>>) src(%dma_wait3A_58 : memref<4000xi32, #tpu.memory_space<hbm>>) dst(%arg20 : memref<4000xi32, #tpu.memory_space<vmem>>)
      %gt3A_59 = arith.constant 0 : i32
      %gt3A_60 = arith.cmpi sgt, %scan3A_31, %gt3A_59 : i32
      %convert_element_type3A_61 = arith.extui %gt3A_60 : i1 to i32
      %cond3A_62 = arith.constant 0 : i32
      %cond3A_63 = arith.cmpi ne, %convert_element_type3A_61, %cond3A_62 : i32
      scf.if %cond3A_63 {
        %dma_wait3A_108 = arith.constant 0 : i32
        %dma_wait3A_109 = tpu.memref_slice %arg11[%dma_wait3A_108] : memref<6400000xf32, #tpu.memory_space<hbm>> -> memref<4000xf32, #tpu.memory_space<hbm>>
        %dma_wait3A_110 = arith.constant 0 : i32
        %dma_wait3A_111 = tpu.memref_slice %arg11[%dma_wait3A_110] : memref<6400000xf32, #tpu.memory_space<hbm>> -> memref<4000xf32, #tpu.memory_space<hbm>>
        tpu.wait_dma2 semaphore(%arg29 : memref<!tpu.dma_semaphore, #tpu.memory_space<semaphore_mem>>) src(%arg21 : memref<4000xf32, #tpu.memory_space<vmem>>) dst(%dma_wait3A_111 : memref<4000xf32, #tpu.memory_space<hbm>>)
      } else {
      }
      %parallel_loop3A = arith.constant 0 : i32
      %parallel_loop3A_64 = arith.constant 250 : i32
      %parallel_loop3A_65 = arith.constant 1 : i32
      scf.for %parallel_loop3A_108 = %parallel_loop3A to %parallel_loop3A_64 step %parallel_loop3A_65  : i32 {
        %parallel_loop3A_109 = arith.constant 16 : i32
        %parallel_loop3A_110 = arith.muli %parallel_loop3A_108, %parallel_loop3A_109 : i32
        %parallel_loop3A_111 = arith.index_cast %parallel_loop3A_110 : i32 to index
        %parallel_loop3A_112 = tpu.vector_load %arg18[%parallel_loop3A_111] {strides = array<i32>} : memref<4000xf32, #tpu.memory_space<vmem>>, vector<16xf32>,
        %parallel_loop3A_113 = arith.constant 1.000000e+00 : f32
        %parallel_loop3A_114 = vector.broadcast %parallel_loop3A_113 : f32 to vector<16xf32>
        %parallel_loop3A_115 = arith.addf %parallel_loop3A_112, %parallel_loop3A_114 : vector<16xf32>
        %parallel_loop3A_116 = arith.index_cast %parallel_loop3A_110 : i32 to index
        %parallel_loop3A_117 = tpu.vector_load %arg21[%parallel_loop3A_116] {strides = array<i32>} : memref<4000xf32, #tpu.memory_space<vmem>>, vector<16xf32>,
        tpu.vector_store %arg21[%parallel_loop3A_116], %parallel_loop3A_115 {strides = array<i32>} : memref<4000xf32, #tpu.memory_space<vmem>>, vector<16xf32>,
      } {sc.loop_unroll_factor = 10 : i64, sc.parallel_access}
      %mul3A_66 = arith.constant 4000 : i32
      %mul3A_67 = arith.muli %mul3A_33, %mul3A_66 : i32
      %add3A_68 = arith.addi %mul3A_2, %mul3A_67 : i32
      %dma_start3A_69 = tpu.memref_slice %arg11[%add3A_68] : memref<6400000xf32, #tpu.memory_space<hbm>> -> memref<4000xf32, #tpu.memory_space<hbm>>
      %dma_start3A_70 = tpu.memref_slice %arg11[%add3A_68] : memref<6400000xf32, #tpu.memory_space<hbm>> -> memref<4000xf32, #tpu.memory_space<hbm>>
      tpu.enqueue_dma source(%arg21 : memref<4000xf32, #tpu.memory_space<vmem>>) target(%dma_start3A_70 : memref<4000xf32, #tpu.memory_space<hbm>>) target_semaphore(%arg29 : memref<!tpu.dma_semaphore, #tpu.memory_space<semaphore_mem>>)
      %dma_start3A_71 = arith.constant 0 : i32
      %dma_start3A_72 = tpu.memref_slice %arg26[%dma_start3A_71] : memref<100352xf32, #tpu.memory_space<vmem_shared>> -> memref<100352xf32, #tpu.memory_space<vmem_shared>>
      tpu.enqueue_indirect_dma source(%arg21 : memref<4000xf32, #tpu.memory_space<vmem>>) target(%dma_start3A_72 : memref<100352xf32, #tpu.memory_space<vmem_shared>>) offsets(%arg19 : memref<4000xi32, #tpu.memory_space<vmem>>) semaphore(%arg31 : memref<!tpu.dma_semaphore, #tpu.memory_space<semaphore_mem>>) {add = true}
      %dma_wait3A_73 = arith.constant 0 : i32
      %dma_wait3A_74 = tpu.memref_slice %arg2[%dma_wait3A_73] : memref<6400000xf32, #tpu.memory_space<hbm>> -> memref<4000xf32, #tpu.memory_space<hbm>>
      %dma_wait3A_75 = arith.constant 0 : i32
      %dma_wait3A_76 = tpu.memref_slice %arg2[%dma_wait3A_75] : memref<6400000xf32, #tpu.memory_space<hbm>> -> memref<4000xf32, #tpu.memory_space<hbm>>
      tpu.wait_dma2 semaphore(%arg28 : memref<!tpu.dma_semaphore, #tpu.memory_space<semaphore_mem>>) src(%dma_wait3A_76 : memref<4000xf32, #tpu.memory_space<hbm>>) dst(%arg22 : memref<4000xf32, #tpu.memory_space<vmem>>)
      %dma_wait3A_77 = arith.constant 0 : i32
      %dma_wait3A_78 = tpu.memref_slice %arg3[%dma_wait3A_77] : memref<6400000xi32, #tpu.memory_space<hbm>> -> memref<4000xi32, #tpu.memory_space<hbm>>
      %dma_wait3A_79 = arith.constant 0 : i32
      %dma_wait3A_80 = tpu.memref_slice %arg3[%dma_wait3A_79] : memref<6400000xi32, #tpu.memory_space<hbm>> -> memref<4000xi32, #tpu.memory_space<hbm>>
      tpu.wait_dma2 semaphore(%arg28 : memref<!tpu.dma_semaphore, #tpu.memory_space<semaphore_mem>>) src(%dma_wait3A_80 : memref<4000xi32, #tpu.memory_space<hbm>>) dst(%arg23 : memref<4000xi32, #tpu.memory_space<vmem>>)
      %dma_wait3A_81 = arith.constant 0 : i32
      %dma_wait3A_82 = tpu.memref_slice %arg4[%dma_wait3A_81] : memref<6400000xi32, #tpu.memory_space<hbm>> -> memref<4000xi32, #tpu.memory_space<hbm>>
      %dma_wait3A_83 = arith.constant 0 : i32
      %dma_wait3A_84 = tpu.memref_slice %arg4[%dma_wait3A_83] : memref<6400000xi32, #tpu.memory_space<hbm>> -> memref<4000xi32, #tpu.memory_space<hbm>>
      tpu.wait_dma2 semaphore(%arg28 : memref<!tpu.dma_semaphore, #tpu.memory_space<semaphore_mem>>) src(%dma_wait3A_84 : memref<4000xi32, #tpu.memory_space<hbm>>) dst(%arg24 : memref<4000xi32, #tpu.memory_space<vmem>>)
      %gt3A_85 = arith.constant 0 : i32
      %gt3A_86 = arith.cmpi sgt, %scan3A_31, %gt3A_85 : i32
      %convert_element_type3A_87 = arith.extui %gt3A_86 : i1 to i32
      %cond3A_88 = arith.constant 0 : i32
      %cond3A_89 = arith.cmpi ne, %convert_element_type3A_87, %cond3A_88 : i32
      scf.if %cond3A_89 {
        %dma_wait3A_108 = arith.constant 0 : i32
        %dma_wait3A_109 = tpu.memref_slice %arg11[%dma_wait3A_108] : memref<6400000xf32, #tpu.memory_space<hbm>> -> memref<4000xf32, #tpu.memory_space<hbm>>
        %dma_wait3A_110 = arith.constant 0 : i32
        %dma_wait3A_111 = tpu.memref_slice %arg11[%dma_wait3A_110] : memref<6400000xf32, #tpu.memory_space<hbm>> -> memref<4000xf32, #tpu.memory_space<hbm>>
        tpu.wait_dma2 semaphore(%arg30 : memref<!tpu.dma_semaphore, #tpu.memory_space<semaphore_mem>>) src(%arg25 : memref<4000xf32, #tpu.memory_space<vmem>>) dst(%dma_wait3A_111 : memref<4000xf32, #tpu.memory_space<hbm>>)
      } else {
      }
      %parallel_loop3A_90 = arith.constant 0 : i32
      %parallel_loop3A_91 = arith.constant 250 : i32
      %parallel_loop3A_92 = arith.constant 1 : i32
      scf.for %parallel_loop3A_108 = %parallel_loop3A_90 to %parallel_loop3A_91 step %parallel_loop3A_92  : i32 {
        %parallel_loop3A_109 = arith.constant 16 : i32
        %parallel_loop3A_110 = arith.muli %parallel_loop3A_108, %parallel_loop3A_109 : i32
        %parallel_loop3A_111 = arith.index_cast %parallel_loop3A_110 : i32 to index
        %parallel_loop3A_112 = tpu.vector_load %arg22[%parallel_loop3A_111] {strides = array<i32>} : memref<4000xf32, #tpu.memory_space<vmem>>, vector<16xf32>,
        %parallel_loop3A_113 = arith.constant 1.000000e+00 : f32
        %parallel_loop3A_114 = vector.broadcast %parallel_loop3A_113 : f32 to vector<16xf32>
        %parallel_loop3A_115 = arith.addf %parallel_loop3A_112, %parallel_loop3A_114 : vector<16xf32>
        %parallel_loop3A_116 = arith.index_cast %parallel_loop3A_110 : i32 to index
        %parallel_loop3A_117 = tpu.vector_load %arg25[%parallel_loop3A_116] {strides = array<i32>} : memref<4000xf32, #tpu.memory_space<vmem>>, vector<16xf32>,
        tpu.vector_store %arg25[%parallel_loop3A_116], %parallel_loop3A_115 {strides = array<i32>} : memref<4000xf32, #tpu.memory_space<vmem>>, vector<16xf32>,
      } {sc.loop_unroll_factor = 10 : i64, sc.parallel_access}
      %dma_wait3A_93 = arith.constant 0 : i32
      %dma_wait3A_94 = tpu.memref_slice %arg26[%dma_wait3A_93] : memref<100352xf32, #tpu.memory_space<vmem_shared>> -> memref<100352xf32, #tpu.memory_space<vmem_shared>>
      tpu.wait_indirect_dma semaphore(%arg31 : memref<!tpu.dma_semaphore, #tpu.memory_space<semaphore_mem>>) src(%arg21 : memref<4000xf32, #tpu.memory_space<vmem>>) dst(%dma_wait3A_94 : memref<100352xf32, #tpu.memory_space<vmem_shared>>)
      %add3A_95 = arith.constant 1 : i32
      %add3A_96 = arith.addi %mul3A_33, %add3A_95 : i32
      %mul3A_97 = arith.constant 4000 : i32
      %mul3A_98 = arith.muli %add3A_96, %mul3A_97 : i32
      %add3A_99 = arith.addi %mul3A_2, %mul3A_98 : i32
      %dma_start3A_100 = tpu.memref_slice %arg11[%add3A_99] : memref<6400000xf32, #tpu.memory_space<hbm>> -> memref<4000xf32, #tpu.memory_space<hbm>>
      %dma_start3A_101 = tpu.memref_slice %arg11[%add3A_99] : memref<6400000xf32, #tpu.memory_space<hbm>> -> memref<4000xf32, #tpu.memory_space<hbm>>
      tpu.enqueue_dma source(%arg25 : memref<4000xf32, #tpu.memory_space<vmem>>) target(%dma_start3A_101 : memref<4000xf32, #tpu.memory_space<hbm>>) target_semaphore(%arg30 : memref<!tpu.dma_semaphore, #tpu.memory_space<semaphore_mem>>)
      %dma_start3A_102 = arith.constant 0 : i32
      %dma_start3A_103 = tpu.memref_slice %arg26[%dma_start3A_102] : memref<100352xf32, #tpu.memory_space<vmem_shared>> -> memref<100352xf32, #tpu.memory_space<vmem_shared>>
      tpu.enqueue_indirect_dma source(%arg25 : memref<4000xf32, #tpu.memory_space<vmem>>) target(%dma_start3A_103 : memref<100352xf32, #tpu.memory_space<vmem_shared>>) offsets(%arg23 : memref<4000xi32, #tpu.memory_space<vmem>>) semaphore(%arg31 : memref<!tpu.dma_semaphore, #tpu.memory_space<semaphore_mem>>) {add = true}
      %lt3A = arith.constant 24 : i32
      %lt3A_104 = arith.cmpi slt, %scan3A_31, %lt3A : i32
      %convert_element_type3A_105 = arith.extui %lt3A_104 : i1 to i32
      %cond3A_106 = arith.constant 0 : i32
      %cond3A_107 = arith.cmpi ne, %convert_element_type3A_105, %cond3A_106 : i32
      scf.if %cond3A_107 {
        %add3A_108 = arith.constant 2 : i32
        %add3A_109 = arith.addi %mul3A_33, %add3A_108 : i32
        %mul3A_110 = arith.constant 4000 : i32
        %mul3A_111 = arith.muli %add3A_109, %mul3A_110 : i32
        %add3A_112 = arith.addi %mul3A_2, %mul3A_111 : i32
        %dma_start3A_113 = tpu.memref_slice %arg2[%add3A_112] : memref<6400000xf32, #tpu.memory_space<hbm>> -> memref<4000xf32, #tpu.memory_space<hbm>>
        %dma_start3A_114 = tpu.memref_slice %arg2[%add3A_112] : memref<6400000xf32, #tpu.memory_space<hbm>> -> memref<4000xf32, #tpu.memory_space<hbm>>
        tpu.enqueue_dma source(%dma_start3A_114 : memref<4000xf32, #tpu.memory_space<hbm>>) target(%arg18 : memref<4000xf32, #tpu.memory_space<vmem>>) target_semaphore(%arg27 : memref<!tpu.dma_semaphore, #tpu.memory_space<semaphore_mem>>)
        %dma_start3A_115 = tpu.memref_slice %arg3[%add3A_112] : memref<6400000xi32, #tpu.memory_space<hbm>> -> memref<4000xi32, #tpu.memory_space<hbm>>
        %dma_start3A_116 = tpu.memref_slice %arg3[%add3A_112] : memref<6400000xi32, #tpu.memory_space<hbm>> -> memref<4000xi32, #tpu.memory_space<hbm>>
        tpu.enqueue_dma source(%dma_start3A_116 : memref<4000xi32, #tpu.memory_space<hbm>>) target(%arg19 : memref<4000xi32, #tpu.memory_space<vmem>>) target_semaphore(%arg27 : memref<!tpu.dma_semaphore, #tpu.memory_space<semaphore_mem>>)
        %dma_start3A_117 = tpu.memref_slice %arg4[%add3A_112] : memref<6400000xi32, #tpu.memory_space<hbm>> -> memref<4000xi32, #tpu.memory_space<hbm>>
        %dma_start3A_118 = tpu.memref_slice %arg4[%add3A_112] : memref<6400000xi32, #tpu.memory_space<hbm>> -> memref<4000xi32, #tpu.memory_space<hbm>>
        tpu.enqueue_dma source(%dma_start3A_118 : memref<4000xi32, #tpu.memory_space<hbm>>) target(%arg20 : memref<4000xi32, #tpu.memory_space<vmem>>) target_semaphore(%arg27 : memref<!tpu.dma_semaphore, #tpu.memory_space<semaphore_mem>>)
      } else {
      }
    }
    %scan3A_16 = arith.constant 25 : i32
    %dma_wait3A = arith.constant 0 : i32
    %dma_wait3A_17 = tpu.memref_slice %arg26[%dma_wait3A] : memref<100352xf32, #tpu.memory_space<vmem_shared>> -> memref<100352xf32, #tpu.memory_space<vmem_shared>>
    tpu.wait_indirect_dma semaphore(%arg31 : memref<!tpu.dma_semaphore, #tpu.memory_space<semaphore_mem>>) src(%arg25 : memref<4000xf32, #tpu.memory_space<vmem>>) dst(%dma_wait3A_17 : memref<100352xf32, #tpu.memory_space<vmem_shared>>)
    %dma_wait3A_18 = arith.constant 0 : i32
    %dma_wait3A_19 = tpu.memref_slice %arg11[%dma_wait3A_18] : memref<6400000xf32, #tpu.memory_space<hbm>> -> memref<4000xf32, #tpu.memory_space<hbm>>
    %dma_wait3A_20 = arith.constant 0 : i32
    %dma_wait3A_21 = tpu.memref_slice %arg11[%dma_wait3A_20] : memref<6400000xf32, #tpu.memory_space<hbm>> -> memref<4000xf32, #tpu.memory_space<hbm>>
    tpu.wait_dma2 semaphore(%arg29 : memref<!tpu.dma_semaphore, #tpu.memory_space<semaphore_mem>>) src(%arg21 : memref<4000xf32, #tpu.memory_space<vmem>>) dst(%dma_wait3A_21 : memref<4000xf32, #tpu.memory_space<hbm>>)
    %dma_wait3A_22 = arith.constant 0 : i32
    %dma_wait3A_23 = tpu.memref_slice %arg11[%dma_wait3A_22] : memref<6400000xf32, #tpu.memory_space<hbm>> -> memref<4000xf32, #tpu.memory_space<hbm>>
    %dma_wait3A_24 = arith.constant 0 : i32
    %dma_wait3A_25 = tpu.memref_slice %arg11[%dma_wait3A_24] : memref<6400000xf32, #tpu.memory_space<hbm>> -> memref<4000xf32, #tpu.memory_space<hbm>>
    tpu.wait_dma2 semaphore(%arg30 : memref<!tpu.dma_semaphore, #tpu.memory_space<semaphore_mem>>) src(%arg25 : memref<4000xf32, #tpu.memory_space<vmem>>) dst(%dma_wait3A_25 : memref<4000xf32, #tpu.memory_space<hbm>>)
    %barrier3A_26 = arith.constant 0 : index
    tpu.barrier barrier_id(%barrier3A_26)
    %mul3A_27 = arith.constant 6272 : i32
    %mul3A_28 = arith.muli %arg1, %mul3A_27 : i32
    %mul3A_29 = arith.constant 6272 : i32
    %mul3A_30 = arith.muli %arg1, %mul3A_29 : i32
    "tpu.region"() ({
      %run_scoped3A = tpu.sem_alloc : memref<!tpu.dma_semaphore, #tpu.memory_space<semaphore_mem>>
      %dma_start3A_31 = tpu.memref_slice %arg12[%arg0, %mul3A_30] : memref<2x100352xf32, #tpu.memory_space<hbm>> -> memref<1x6272xf32, #tpu.memory_space<hbm>>
      %dma_start3A_32 = tpu.memref_squeeze %dma_start3A_31 : memref<1x6272xf32, #tpu.memory_space<hbm>> -> memref<6272xf32, #tpu.memory_space<hbm>>
      %dma_start3A_33 = tpu.memref_slice %arg26[%mul3A_28] : memref<100352xf32, #tpu.memory_space<vmem_shared>> -> memref<6272xf32, #tpu.memory_space<vmem_shared>>
      tpu.enqueue_dma source(%dma_start3A_33 : memref<6272xf32, #tpu.memory_space<vmem_shared>>) target(%dma_start3A_32 : memref<6272xf32, #tpu.memory_space<hbm>>) target_semaphore(%run_scoped3A : memref<!tpu.dma_semaphore, #tpu.memory_space<semaphore_mem>>)
      %dma_wait3A_34 = tpu.memref_slice %arg12[%arg0, %mul3A_30] : memref<2x100352xf32, #tpu.memory_space<hbm>> -> memref<1x6272xf32, #tpu.memory_space<hbm>>
      %dma_wait3A_35 = tpu.memref_squeeze %dma_wait3A_34 : memref<1x6272xf32, #tpu.memory_space<hbm>> -> memref<6272xf32, #tpu.memory_space<hbm>>
      %dma_wait3A_36 = tpu.memref_slice %arg26[%mul3A_28] : memref<100352xf32, #tpu.memory_space<vmem_shared>> -> memref<6272xf32, #tpu.memory_space<vmem_shared>>
      tpu.wait_dma2 semaphore(%run_scoped3A : memref<!tpu.dma_semaphore, #tpu.memory_space<semaphore_mem>>) src(%dma_wait3A_36 : memref<6272xf32, #tpu.memory_space<vmem_shared>>) dst(%dma_wait3A_35 : memref<6272xf32, #tpu.memory_space<hbm>>)
      tpu.yield
    }) : () -> ()
    return
  }
}

module attributes {stable_mosaic.version = 14 : i64} {
  func.func @_combine_body(%arg0: memref<2x784x128xf32, #tpu.memory_space<vmem>>, %arg1: memref<784x128xf32, #tpu.memory_space<vmem>>) attributes {dimension_semantics = [], scalar_prefetch = 0 : i64, scratch_operands = 0 : i64, tpu.core_type = #tpu.core_type<tc>} {
    %get3A = arith.constant 0 : index
    %get3A_0 = arith.constant 0 : index
    %get3A_1 = arith.constant 0 : index
    %get3A_2 = vector.load %arg0[%get3A, %get3A_0, %get3A_1] : memref<2x784x128xf32, #tpu.memory_space<vmem>>, vector<1x784x128xf32>
    %get3A_3 = vector.shape_cast %get3A_2 : vector<1x784x128xf32> to vector<784x128xf32>
    %get3A_4 = arith.constant 1 : index
    %get3A_5 = arith.constant 0 : index
    %get3A_6 = arith.constant 0 : index
    %get3A_7 = vector.load %arg0[%get3A_4, %get3A_5, %get3A_6] : memref<2x784x128xf32, #tpu.memory_space<vmem>>, vector<1x784x128xf32>
    %get3A_8 = vector.shape_cast %get3A_7 : vector<1x784x128xf32> to vector<784x128xf32>
    %add3A = arith.addf %get3A_3, %get3A_8 : vector<784x128xf32>
    %swap3A = arith.constant 0 : index
    %swap3A_9 = arith.constant 0 : index
    %swap3A_10 = vector.load %arg1[%swap3A, %swap3A_9] : memref<784x128xf32, #tpu.memory_space<vmem>>, vector<784x128xf32>
    tpu.vector_store %arg1[%swap3A, %swap3A_9], %add3A {strides = array<i32>} : memref<784x128xf32, #tpu.memory_space<vmem>>, vector<784x128xf32>,
    return
  }
}

</mosaic_0001>

<sc_bundles>
// kernel: kernel.4.cloned.1.call-start
scs
__scs_entry_jumppad:
0x0: {  	(pc) =	sbr.rel $0x88, $3  }
0x1: {  	(tag) =	ssettag $0x0;
	lr =	simm.s32 $0x1  }
0x2: {  	[smem:$0x3F9D] =	sst lr;
	_ =	strace $0xD0000000  }
0x3: {  	_ = 	snop  }
0x4: {  	_ = 	snop  }
0x5: {  	_ = 	snop  }
0x6: {  	_ = 	snop  }
0x7: {  	_ = 	snop  }
__scs_overlays_trampoline_lowered:
0x8: {  	[smem:$0x3FAC] =	sst s0  }
0x9: {  	[smem:$0x3FAD] =	sst s1  }
0xa: {  	[smem:$0x3FAE] =	sst s2  }
0xb: {  	[smem:$0x3FAF] =	sst s3  }
0xc: {  	[smem:$0x3FB0] =	sst s4  }
0xd: {  	[smem:$0x3FB1] =	sst s5  }
0xe: {  	[smem:$0x3FB2] =	sst s6  }
0xf: {  	[smem:$0x3FB3] =	sst s7  }
0x10: {  	[smem:$0x3FB4] =	sst s8  }
0x11: {  	[smem:$0x3FB5] =	sst s9;
	s0 =	simm.s32 @!p0 $0x0  }
0x12: {  	s1 =	sld [smem:$0x3F9B];
	s0 =	simm.s32 @p0 $0x1  }
0x13: {  	[smem:$0x3FB6] =	sst s0;
	s0 =	simm.s32 @!p1 $0x0  }
0x14: {  	s2 =	sld [smem:$0x3F9A];
	s0 =	simm.s32 @p1 $0x1  }
0x15: {  	[smem:$0x3FB7] =	sst s0;
	s0 =	simm.s32 @!p2 $0x0  }
0x16: {  	s3 =	sld [smem:$0x3FDB];
	s0 =	simm.s32 @p2 $0x1  }
0x17: {  	s4 =	simm.s32 $0x1BF5;
	[smem:$0x3FB9] =	sst s0  }
0x18: {  	s0 =	sld [smem:$0x3F9C];
	_ =	swait.ge [sflag:s4], $0x0  }
0x19: {  	s7 =	sld [smem:$0x3F9D]  }
0x1a: {  	s8 =	sadd.s32 $0xFFFFE003, lr  }
0x1b: {  	s9 =	sadd.s32 $0xFFFFFEF7, lr;
	s5 =	simm.s32 $0xFFFFFFFF;
	p2 =	slt.u32 s8, $0xFFFFF086  }
0x1c: {  	p1 =	slt.u32 s9, $0xF7A;
	s5 =	simm.s32 @!p2 $0x0  }
0x1d: {  	s5 =	simm.s32 @p1 $0x1;
	p0 =	seq.s32 s7, s2  }
0x1e: {  	s7 =	smul.u32 @!p0 $0xF7A, s2;
	p2 =	seq.s32 @!p0 s5, $0x0  }
0x1f: {  	s9 =	smul.u32 $0xF7A, s1;
	s8 =	simm.s32 @!p0 $0x1BF5;
	p2 =	por !p2, p0  }
0x20: {  	[sflag:s8] =	ssyncset.s32 @!p0 $0xFFFFF086;
	s6 =	sadd.s32 @!p0 s3, s7;
	s7 =	simm.s32 @!p0 $0x108  }
0x21: {  	s3 =	sadd.s32 s3, s9;
	s6 =	sadd.s32 @!p0 $0x88, s6;
	s7 =	simm.s32 @p2 $0x1082  }
0x22: {  	[simem:s7], [sflag:s8] =	dma.local @!p0 [hbm:s6], $0xF7A  }
0x23: {  	s9 =	sor.u32 $0xD0000000, s2;
	s6 =	simm.s32 $0x108;
	_ =	swait.ge @!p0 [sflag:s8], $0x0  }
0x24: {  	s3 =	sadd.s32 $0x88, s3;
	s6 =	simm.s32 @!p1 $0x1082;
	[sflag:s4] =	ssyncset.s32 $0xFFFFF086  }
0x25: {  	[simem:s6], [sflag:s4] =	dma.local [hbm:s3], $0xF7A  }
0x26: {  	[smem:$0x3F9D] =	sst s1;
	(tag) =	ssettag s2;
	_ =	strace s9  }
0x27: {  	s1 =	sld [smem:$0x3FAD]  }
0x28: {  	s2 =	sld [smem:$0x3FAE]  }
0x29: {  	s4 =	sld [smem:$0x3FB0]  }
0x2a: {  	p0 =	seq.s32 s5, $0x0;
	s5 =	sld [smem:$0x3FB1]  }
0x2b: {  	s6 =	sld [smem:$0x3FB2]  }
0x2c: {  	s7 =	sld [smem:$0x3FB3]  }
0x2d: {  	s3 =	simm.s32 $0x108;
	s8 =	sld [smem:$0x3FB4]  }
0x2e: {  	s3 =	simm.s32 @!p0 $0x1082;
	s9 =	sld [smem:$0x3FB5]  }
0x2f: {  	lr =	sadd.s32 s0, s3;
	s0 =	sld [smem:$0x3FAC]  }
0x30: {  	s3 =	sld [smem:$0x3FAF]  }
0x31: {  	[smem:$0x3FB8] =	sst s10  }
0x32: {  	s10 =	sld [smem:$0x3FB6];
	_ =	sdelay $0x3  }
0x33: {  	p0 =	seq.s32 s10, $0x1;
	s10 =	sld [smem:$0x3FB8];
	_ =	sdelay $0x3  }
0x34: {  	[smem:$0x3FB8] =	sst s10  }
0x35: {  	s10 =	sld [smem:$0x3FB7];
	_ =	sdelay $0x3  }
0x36: {  	p1 =	seq.s32 s10, $0x1;
	s10 =	sld [smem:$0x3FB8];
	_ =	sdelay $0x3  }
0x37: {  	[smem:$0x3FB8] =	sst s10  }
0x38: {  	s10 =	sld [smem:$0x3FB9]  }
0x39: {  	_ = 	snop;
	(pc) =	sbr.ind lr, $3  }
0x3a: {  	_ = 	snop  }
0x3b: {  	_ = 	snop  }
0x3c: {  	p2 =	seq.s32 s10, $0x1;
	s10 =	sld [smem:$0x3FB8]  }
0x3d: {  	_ =	shalt  }
0x3e: {  	_ =	shalt  }
0x3f: {  	_ =	shalt  }
0x40: {  	_ =	shalt  }
0x41: {  	_ =	shalt  }
0x42: {  	_ =	shalt  }
0x43: {  	_ =	shalt  }
0x44: {  	_ =	shalt  }
0x45: {  	_ =	shalt  }
0x46: {  	_ =	shalt  }
0x47: {  	_ =	shalt  }
0x48: {  	_ =	shalt  }
0x49: {  	_ =	shalt  }
0x4a: {  	_ =	shalt  }
0x4b: {  	_ =	shalt  }
0x4c: {  	_ =	shalt  }
0x4d: {  	_ =	shalt  }
0x4e: {  	_ =	shalt  }
0x4f: {  	_ =	shalt  }
0x50: {  	_ =	shalt  }
0x51: {  	_ =	shalt  }
0x52: {  	_ =	shalt  }
0x53: {  	_ =	shalt  }
0x54: {  	_ =	shalt  }
0x55: {  	_ =	shalt  }
0x56: {  	_ =	shalt  }
0x57: {  	_ =	shalt  }
0x58: {  	_ =	shalt  }
0x59: {  	_ =	shalt  }
0x5a: {  	_ =	shalt  }
0x5b: {  	_ =	shalt  }
0x5c: {  	_ =	shalt  }
0x5d: {  	_ =	shalt  }
0x5e: {  	_ =	shalt  }
0x5f: {  	_ =	shalt  }
0x60: {  	_ =	shalt  }
0x61: {  	_ =	shalt  }
0x62: {  	_ =	shalt  }
0x63: {  	_ =	shalt  }
0x64: {  	_ =	shalt  }
0x65: {  	_ =	shalt  }
0x66: {  	_ =	shalt  }
0x67: {  	_ =	shalt  }
0x68: {  	_ =	shalt  }
0x69: {  	_ =	shalt  }
0x6a: {  	_ =	shalt  }
0x6b: {  	_ =	shalt  }
0x6c: {  	_ =	shalt  }
0x6d: {  	_ =	shalt  }
0x6e: {  	_ =	shalt  }
0x6f: {  	_ =	shalt  }
0x70: {  	_ =	shalt  }
0x71: {  	_ =	shalt  }
0x72: {  	_ =	shalt  }
0x73: {  	_ =	shalt  }
0x74: {  	_ =	shalt  }
0x75: {  	_ =	shalt  }
0x76: {  	_ =	shalt  }
0x77: {  	_ =	shalt  }
0x78: {  	_ =	shalt  }
0x79: {  	_ =	shalt  }
0x7a: {  	_ =	shalt  }
0x7b: {  	_ =	shalt  }
0x7c: {  	_ =	shalt  }
0x7d: {  	_ =	shalt  }
0x7e: {  	_ =	shalt  }
0x7f: {  	_ =	shalt  }
0x80: {  	_ =	shalt  }
0x81: {  	_ =	shalt  }
0x82: {  	_ =	shalt  }
0x83: {  	_ =	shalt  }
0x84: {  	_ =	shalt  }
0x85: {  	_ =	shalt  }
0x86: {  	_ =	shalt  }
0x87: {  	_ =	shalt  }
.Lfunc_end0:
.L_simem_size_0:
called_computation_lowered:
.L_overlay_start_0:
0x88: {  	s2 =	sld [smem:$0x3FD9]  }
0x89: {  	s3 =	sld [smem:$0x3FFE];
	_ =	sdelay $0x1  }
0x8a: {  	s1 =	srdreg.scid  }
0x8b: {  	s0 =	sand.u32 $0x1, s1  }
0x8c: {  	s14 =	sshll.u32 s0, $0xA;
	s2 =	sadd.s32 s3, s2  }
0x8d: {  	s2 =	sadd.s32 s2, s14  }
0x8e: {  	[smem:$0x3FC4] =	sst s2  }
0x8f: {  	_ = 	snop  }
0x90: {  	s2 =	sld [smem:$0x3FD0]  }
0x91: {  	s15 =	sld [smem:$0x3FC9]  }
0x92: {  	s4 =	sld [smem:$0x3FC8]  }
0x93: {  	s6 =	simm.s32 $0xA;
	s7 =	simm.s32 $0x10;
	s5 =	sld [smem:$0x3FC7]  }
0x94: {  	[smem:s7], [sflag:s6] =	dma.local [hbm:s2], $0x1  }
0x95: {  	_ =	swait.eq [sflag:s6], $0x1  }
0x96: {  	[sflag:s6] =	ssyncset.done $0x0  }
0x97: {  	s16 =	sld [smem:$0x10];
	[sflag:s6] =	ssyncadd.s32 $0xFFFFFFFF  }
0x98: {  	s17 =	sld [smem:$0x11];
	(tm) =	ssettm $0x1  }
0x99: {  	s18 =	sld [smem:$0x3FFB];
	_ =	sdelay $0x3  }
0x9a: {  	_ =	strace s18  }
0x9b: {  	s7 =	sld [smem:$0x3FFC];
	_ =	sdelay $0x3  }
0x9c: {  	_ =	strace s7  }
0x9d: {  	s7 =	sld [smem:$0x3FFD];
	_ =	sdelay $0x3  }
0x9e: {  	_ =	strace s7  }
0x9f: {  	_ =	strace $0x8FFFFFFF  }
0xa0: {  	s19 =	sld [smem:$0x3FDB];
	_ =	sdelay $0x1  }
0xa1: {  	s8 =	simm.s32 $_scs_section_size  }
0xa2: {  	s9 =	simm.s32 $_size__tile_overlayer_lowered;
	s10 =	simm.s32 $_tile_overlayer_lowered  }
0xa3: {  	s22 =	simm.s32 $0x1BFF;
	s21 =	sshll.u32 s10, $0x1;
	s7 =	sadd.s32 s8, s19  }
0xa4: {  	s11 =	simm.s32 $0x0;
	s20 =	sshll.u32 s9, $0x1;
	s9 =	sadd.s32 s21, s7  }
0xa5: {  	[timem:s11], [sflag:s22] =	dma.local [hbm:s9], s20  }
0xa6: {  	_ =	swait.ge [sflag:s22], s20  }
0xa7: {  	s8 =	ssub.s32 $0x0, s20;
	[sflag:s22] =	ssyncset.done $0x0  }
0xa8: {  	[sflag:s22] =	ssyncadd.s32 s8;
	_ =	sdelay $0x1  }
0xa9: {  	s23 =	simm.s32 $0x1B8B  }
0xaa: {  	_ =	swait.ge [sflag:s23], $0x1  }
0xab: {  	[sflag:s23] =	ssyncset.done $0x0  }
0xac: {  	s25 =	simm.s32 $0x1B8E;
	s24 =	sld [smem:$0x3FFE];
	[sflag:s23] =	ssyncadd.s32 $0xFFFFFFFF  }
0xad: {  	s26 =	simm.s32 $execute0_lowered;
	[smem:$0x3FD2] =	sst s25  }
0xae: {  	s9 =	sshll.u32 s26, $0x1;
	_ =	strace $0x80000046;
	[dreg:$0x1] =	wrdreg $0xFFFFFFFF  }
0xaf: {  	s28 =	simm.s32 $_size_execute0_lowered;
	s7 =	sadd.s32 s7, s9;
	[dreg:$0x0] =	wrdreg $0x0  }
0xb0: {  	s9 =	sshll.u32 s28, $0x1;
	[dreg:$0x2] =	wrdreg s7  }
0xb1: {  	[dreg:$0x3] =	wrdreg s9  }
0xb2: {  	[dreg:$0x4] =	wrdreg $0xC0  }
0xb3: {  	_ =	task [dreg:s11], $0x5FFFF  }
0xb4: {  	[dreg:$0x1] =	wrdreg $0xFFFFFFFF  }
0xb5: {  	[dreg:$0x0] =	wrdreg $0x60  }
0xb6: {  	[dreg:$0x2] =	wrdreg s15  }
0xb7: {  	[dreg:$0x3] =	wrdreg s4  }
0xb8: {  	[dreg:$0x4] =	wrdreg s5  }
0xb9: {  	[dreg:$0x5] =	wrdreg s17  }
0xba: {  	[dreg:$0x6] =	wrdreg s24  }
0xbb: {  	[dreg:$0x7] =	wrdreg s16  }
0xbc: {  	[dreg:$0x8] =	wrdreg $0x162000  }
0xbd: {  	[dreg:$0x9] =	wrdreg $0x9  }
0xbe: {  	_ =	task.clear_ibuf [dreg:s11], $0xAFFFF;
	_ =	strace $0x90000046  }
0xbf: {  	s29 =	simm.s32 $0x9;
	_ =	strace $0x80000048  }
0xc0: {  	_ =	swait.ge [sflag:s29], $0x1  }
0xc1: {  	[sflag:s29] =	ssyncadd.s32 $0xFFFFFFFF  }
0xc2: {  	_ =	strace $0x90000048  }
0xc3: {  	_ =	sfence  }
0xc4: {  	s30 =	sld [smem:$0x0];
	_ =	sdelay $0x2  }
0xc5: {  	s31 =	sshll.u32 s1, $0xD;
	s1 =	sshrl.u32 s1, $0x2  }
0xc6: {  	s3 =	sand.u32 $0x4000, s31;
	s1 =	sadd.s32 s1, s30  }
0xc7: {  	s0 =	sor.u32 s3, s0;
	s1 =	sshll.u32 s1, $0x11  }
0xc8: {  	s0 =	sor.u32 s1, s0  }
0xc9: {  	s0 =	sadd.s32 $0x8F2B, s0  }
0xca: {  	[sflag:s0] =	ssyncadd.remote.s32 $0x1  }
0xcb: {  	_ =	sfence.sel $0xFFFF  }
0xcc: {  	[dreg:$0x0] =	wrdreg $0xFFFFFFFF;
	(pc) =	sbr.abs _section_cstart, $3  }
0xcd: {  	[dreg:$0x1] =	wrdreg $0xFFFFFFFF  }
0xce: {  	_ =	task.clear_ibuf [dreg:s11], $0x2FFFF;
	_ =	strace $0x9FFFFFFF  }
0xcf: {  	(tm) =	ssettm $0x7FFFFFFF  }
tec
execute0_lowered:
.L_overlay_start_1:
0x0: {  	(tag) =	ssettag $0x1  }
0x1: {  	s0 =	rddreg [dreg:$0x0]  }
0x2: {  	s2 =	rddreg [dreg:$0x1]  }
0x3: {  	s3 =	rddreg [dreg:$0x2]  }
0x4: {  	s1 =	rddreg [dreg:$0x4]  }
0x5: {  	s5 =	rddreg [dreg:$0x5]  }
0x6: {  	s6 =	rddreg [dreg:$0x6];
	s7 =	simm.s32 $0x0;
	s4 =	srdreg.scid  }
0x7: {  	s11 =	stileid.u32;
	s29 =	simm.s32 $0xE200;
	s30 =	simm.s32 $0xF200  }
0x8: {  	s31 =	simm.s32 $0x10200;
	s28 =	simm.s32 $0xFA0;
	s14 =	simm.s32 $0x0  }
0x9: {  	[smem:$0x7FF] =	sst s7;
	s8 =	sadd.s32 $0x1800, s1;
	s4 =	sand.u32 $0x1, s4  }
0xa: {  	s15 =	sadd.s32 $0x1400, s1;
	_ =	strace $0x80000047;
	[dreg:$0x8] =	wrdreg s8  }
0xb: {  	s16 =	smul.u32 $0x3100, s11;
	s10 =	sadd.s32 $0x1000, s1;
	[dreg:$0x9] =	wrdreg s15  }
0xc: {  	s12 =	sadd.s32 $0xC00, s1;
	s18 =	smul.u32 $0x6200, s11;
	[dreg:$0xa] =	wrdreg s10  }
0xd: {  	s19 =	sadd.s32 $0x1C00, s1;
	s9 =	sshll.u32 s4, $0x4;
	[dreg:$0xb] =	wrdreg s12  }
0xe: {  	s17 =	sshll.u32 s4, $0x7;
	s4 =	ssub.s32 $0x2, s4;
	[dreg:$0xc] =	wrdreg s19  }
0xf: {  	s10 =	simm.s32 $0x15200;
	s9 =	sor.u32 s11, s9;
	s8 =	sor.u32 s17, s16  }
0x10: {  	s20 =	sshrl.u32 s4, $0x1;
	s21 =	sshrl.u32 s18, $0x2;
	s13 =	smul.u32 $0x30D40, s9  }
0x11: {  	s8 =	sshrl.u32 s8, $0x3;
	s4 =	ssub.s32 s4, s20;
	s9 =	simm.s32 $0x5  }
0x12: {  	s1 =	sadd.s32 s8, s1;
	s8 =	sadd.s32 s21, s6;
	s26 =	smax.u32 s4, $0x1  }
0x13: {  	s4 =	simm.s32 $0x13200;
	s22 =	sshrl.u32 s13, $0x3;
	[dreg:$0xd] =	wrdreg s8  }
0x14: {  	s19 =	sadd.s32 $0xFA0, s13;
	s1 =	sadd.s32 $0x2000, s1;
	[dreg:$0x12] =	wrdreg s26  }
.Ltmp0:
0x15: {  	s23 =	sadd.s32 s0, s22;
	[dreg:$0x11] =	wrdreg s1;
	(pc) =	sbr.rel .LBB2_1-.Ltmp0, $4  }
0x16: {  	s20 =	sadd.s32 $0x1F40, s13;
	s24 =	sadd.s32 s2, s22;
	[dreg:$0xe] =	wrdreg s23  }
0x17: {  	s26 =	simm.s32 $0x11200;
	s25 =	sadd.s32 s3, s22;
	[dreg:$0xf] =	wrdreg s24  }
0x18: {  	s8 =	simm.s32 $0x2;
	s1 =	simm.s32 $0x12200;
	[dreg:$0x10] =	wrdreg s25  }
0x19: {  	s23 =	simm.s32 $0x6;
	s24 =	simm.s32 $0x14200;
	s25 =	simm.s32 $0x1  }
.LBB2_8:
0x1a: {  	_ =	swait.ge [sflag:s9], $0xFA0  }
0x1b: {  	[sflag:s9] =	ssyncset.done $0x0  }
0x1c: {  	s11 =	simm.s32 $0x3;
	[sflag:s9] =	ssyncadd.s32 $0xFFFFF060  }
0x1d: {  	_ =	swait.ge [sflag:s11], $0xFA0  }
0x1e: {  	[sflag:s11] =	ssyncset.done $0x0  }
0x1f: {  	s18 =	simm.s32 $0x4;
	[sflag:s11] =	ssyncadd.s32 $0xFFFFF060  }
0x20: {  	_ =	swait.ge [sflag:s18], $0xFA0  }
0x21: {  	[sflag:s18] =	ssyncset.done $0x0  }
0x22: {  	[sflag:s18] =	ssyncadd.s32 $0xFFFFF060  }
0x23: {  	[bflag:$0x0] =	sbarrier.arrive $0xFFFF  }
0x24: {  	s21 =	rddreg [dreg:$0x11]  }
0x25: {  	s16 =	rddreg [dreg:$0x13]  }
0x26: {  	s12 =	simm.s32 $0x20;
	s15 =	simm.s32 $0x10;
	s17 =	rddreg [dreg:$0x14]  }
0x27: {  	[hbm:s21@s12], [sflag:s16] =	dma.strided [spmem:s17@s15], $0x310, s25, $0x10   }
0x28: {  	_ =	swait.ge [sflag:s23], $0x310  }
0x29: {  	s14 =	sadd.s32 $0x1, s14;
	s22 =	rddreg [dreg:$0x12]  }
0x2a: {  	p0 =	sne.s32 s14, s22  }
.Ltmp1:
0x2b: {  	_ = 	snop;
	(pc) =	sbr.rel @!p0 .LBB2_9-.Ltmp1, $3  }
0x2c: {  	_ =	sdelay $0x1  }
0x2d: {  	[sflag:s23] =	ssyncset.done $0x0  }
0x2e: {  	[sflag:s23] =	ssyncadd.s32 $0xFFFFFCF0  }
.LBB2_1:
0x2f: {  	s11 =	rddreg [dreg:$0x3]  }
0x30: {  	[tilespmem:s7], [sflag:$0x6] =	stream.linear.gather [hbm4b:s11+s7], $0x6200, $0x38;
	[tilespmem:$0x17A80] =	vst v63  }
0x31: {  	_ =	swait.ge [sflag:s23], $0x6200  }
0x32: {  	[sflag:s23] =	ssyncset.done $0x0  }
0x33: {  	s12 =	simm.s32 $0x6200;
	s18 =	rddreg [dreg:$0x8];
	[sflag:s23] =	ssyncadd.s32 $0xFFFF9E00  }
0x34: {  	[tilespmem:s12], [sflag:$0x6] =	stream.linear.gather [hbm4b:s18+s7], $0x2000, $0x38;
	[tilespmem:$0x17A80] =	vst v63  }
0x35: {  	_ =	swait.ge [sflag:s23], $0x2000  }
0x36: {  	[sflag:s23] =	ssyncset.done $0x0  }
0x37: {  	s22 =	simm.s32 $0x8200;
	s21 =	rddreg [dreg:$0x9];
	[sflag:s23] =	ssyncadd.s32 $0xFFFFE000  }
0x38: {  	[tilespmem:s22], [sflag:$0x6] =	stream.linear.gather [hbm4b:s21+s7], $0x2000, $0x38;
	[tilespmem:$0x17A80] =	vst v63  }
0x39: {  	_ =	swait.ge [sflag:s23], $0x2000  }
0x3a: {  	[sflag:s23] =	ssyncset.done $0x0  }
0x3b: {  	s16 =	simm.s32 $0xA200;
	s15 =	rddreg [dreg:$0xa];
	[sflag:s23] =	ssyncadd.s32 $0xFFFFE000  }
0x3c: {  	[tilespmem:s16], [sflag:$0x6] =	stream.linear.gather [hbm4b:s15+s7], $0x2000, $0x38;
	[tilespmem:$0x17A80] =	vst v63  }
0x3d: {  	s21 =	stileid.u32;
	_ =	swait.ge [sflag:s23], $0x2000  }
0x3e: {  	s18 =	simm.s32 $0xC200;
	s11 =	sshll.u32 s21, $0x6;
	[sflag:s23] =	ssyncset.done $0x0  }
0x3f: {  	s22 =	sor.u32 $0x1C06, s11;
	s17 =	rddreg [dreg:$0xb];
	[sflag:s23] =	ssyncadd.s32 $0xFFFFE000  }
0x40: {  	[tilespmem:s18], [sflag:$0x6] =	stream.linear.gather [hbm4b:s17+s7], $0x2000, $0x38;
	[tilespmem:$0x17A80] =	vst v63  }
0x41: {  	_ =	swait.ge [sflag:s23], $0x2000;
	[dreg:$0x13] =	wrdreg s22  }
0x42: {  	s16 =	rddreg [dreg:$0xd]  }
0x43: {  	[sflag:s23] =	ssyncset.done $0x0;
	s17 =	rddreg [dreg:$0xc];
	s15 =	sshrl.u32 s16, $0x3  }
0x44: {  	[sflag:s23] =	ssyncadd.s32 $0xFFFFE000;
	[dreg:$0x14] =	wrdreg s15  }
0x45: {  	[spmem:s15], [sflag:s22] =	dma.local [hbm:s17], $0x310  }
0x46: {  	_ =	swait.ge [sflag:s23], $0x310  }
0x47: {  	[sflag:s23] =	ssyncset.done $0x0  }
0x48: {  	[sflag:s23] =	ssyncadd.s32 $0xFFFFFCF0  }
0x49: {  	[bflag:$0x0] =	sbarrier.arrive $0xFFFF  }
0x4a: {  	s18 =	rddreg [dreg:$0xe]  }
0x4b: {  	[tilespmem:s29], [sflag:$0x1] =	stream.linear.gather [hbm4b:s18+s7], $0xFA0, $0x38;
	[tilespmem:$0x17A80] =	vst v63  }
0x4c: {  	s21 =	rddreg [dreg:$0xf]  }
0x4d: {  	[tilespmem:s30], [sflag:$0x1] =	stream.linear.gather [hbm4b:s21+s7], $0xFA0, $0x38;
	[tilespmem:$0x17A80] =	vst v63  }
0x4e: {  	s17 =	simm.s32 $0x0;
	s22 =	rddreg [dreg:$0x10]  }
0x4f: {  	[tilespmem:s31], [sflag:$0x1] =	stream.linear.gather [hbm4b:s22+s7], $0xFA0, $0x38;
	[tilespmem:$0x17A80] =	vst v63  }
.LBB2_2:
0x50: {  	p0 =	seq.s32 s17, $0x0;
	s18 =	smul.u32 $0x1F40, s17  }
0x51: {  	s11 =	simm.s32 @!p0 $0x5  }
0x52: {  	_ =	swait.ge @!p0 [sflag:s11], $0xFA0;
	s12 =	sadd.s32 s18, s19  }
0x53: {  	[sflag:s11] =	ssyncset.done @!p0 $0x0;
	s21 =	sshrl.u32 s12, $0x3  }
0x54: {  	[sflag:s11] =	ssyncadd.s32 @!p0 $0xFFFFF060;
	s22 =	sadd.s32 s0, s21  }
0x55: {  	[tilespmem:s1], [sflag:$0x2] =	stream.linear.gather [hbm4b:s22+s7], $0xFA0, $0x38;
	[tilespmem:$0x17A80] =	vst v63  }
0x56: {  	s12 =	sadd.s32 s2, s21  }
0x57: {  	[tilespmem:s4], [sflag:$0x2] =	stream.linear.gather [hbm4b:s12+s7], $0xFA0, $0x38;
	[tilespmem:$0x17A80] =	vst v63  }
0x58: {  	s15 =	sadd.s32 s3, s21  }
0x59: {  	[tilespmem:s24], [sflag:$0x2] =	stream.linear.gather [hbm4b:s15+s7], $0xFA0, $0x38;
	[tilespmem:$0x17A80] =	vst v63  }
0x5a: {  	_ =	swait.ge [sflag:s25], $0xFA0  }
0x5b: {  	[sflag:s25] =	ssyncset.done $0x0  }
0x5c: {  	[sflag:s25] =	ssyncadd.s32 $0xFFFFF060  }
0x5d: {  	_ =	swait.ge [sflag:s25], $0xFA0  }
0x5e: {  	[sflag:s25] =	ssyncset.done $0x0  }
0x5f: {  	[sflag:s25] =	ssyncadd.s32 $0xFFFFF060  }
0x60: {  	_ =	swait.ge [sflag:s25], $0xFA0  }
0x61: {  	[sflag:s25] =	ssyncset.done $0x0  }
0x62: {  	s11 =	simm.s32 @!p0 $0x3;
	[sflag:s25] =	ssyncadd.s32 $0xFFFFF060  }
0x63: {  	_ =	swait.ge @!p0 [sflag:s11], $0xFA0  }
0x64: {  	[sflag:s11] =	ssyncset.done @!p0 $0x0  }
0x65: {  	s16 =	simm.s32 $0xE250;
	s22 =	simm.s32 $0x0;
	[sflag:s11] =	ssyncadd.s32 @!p0 $0xFFFFF060  }
0x66: {  	s11 =	sand.u32 $0xFE0, s22;
	v1 =	vld [tilespmem:s16+$0x40]  }
0x67: {  	v2 =	vld [tilespmem:s11+$0xE280]  }
0x68: {  	v3 =	vld [tilespmem:s16+$0xFFFFFFC0]  }
0x69: {  	v4 =	vld [tilespmem:s16+$0xFFFFFFD0]  }
0x6a: {  	v6 =	vld [tilespmem:s16+$0xFFFFFFE0]  }
0x6b: {  	v0 =	vld [tilespmem:s16+$0xFFFFFFF0];
	v5 =	vadd.f32 $1.000000000e+00, v1  }
0x6c: {  	s22 =	simm.s32 $0x11250;
	v1 =	vld [tilespmem:s16+$0x0];
	v7 =	vadd.f32 $1.000000000e+00, v2  }
0x6d: {  	v8 =	vadd.f32 $1.000000000e+00, v3;
	v2 =	vld [tilespmem:s16+$0x10];
	[tilespmem:s22+$0x40] =	vst v5  }
0x6e: {  	v3 =	vld [tilespmem:s16+$0x20];
	[tilespmem:s11+$0x11280] =	vst v7;
	v5 =	vadd.f32 $1.000000000e+00, v4  }
0x6f: {  	s12 =	simm.s32 $0xE2F0;
	s15 =	simm.s32 $0xA0;
	v6 =	vadd.f32 $1.000000000e+00, v6;
	s11 =	simm.s32 $0x0;
	v4 =	vld [tilespmem:s16+$0xFFFFFFB0];
	[tilespmem:s22+$0xFFFFFFC0] =	vst v8  }
.LBB2_3:
0x70: {  	s16 =	sand.u32 $0xFE0, s15;
	v7 =	vld [tilespmem:s12+$0x40];
	s11 =	sadd.s32 $0xA, s11;
	[tilespmem:s22+$0xFFFFFFD0] =	vst v5;
	v0 =	vadd.f32 $1.000000000e+00, v0  }
0x71: {  	v5 =	vld [tilespmem:s16+$0xE280];
	p1 =	slt.u32 s11, $0xF0;
	[tilespmem:s22+$0xFFFFFFE0] =	vst v6;
	v1 =	vadd.f32 $1.000000000e+00, v1  }
0x72: {  	v6 =	vld [tilespmem:s12+$0xFFFFFFC0];
	[tilespmem:s22+$0xFFFFFFF0] =	vst v0;
	v0 =	vadd.f32 $1.000000000e+00, v2  }
0x73: {  	v8 =	vld [tilespmem:s12+$0xFFFFFFD0];
	[tilespmem:s22+$0x0] =	vst v1;
	v1 =	vadd.f32 $1.000000000e+00, v3  }
0x74: {  	v9 =	vld [tilespmem:s12+$0xFFFFFFE0];
	v2 =	vadd.f32 $1.000000000e+00, v4;
	[tilespmem:s22+$0x10] =	vst v0  }
.Ltmp2:
0x75: {  	v0 =	vld [tilespmem:s12+$0xFFFFFFF0];
	v3 =	vadd.f32 $1.000000000e+00, v7;
	[tilespmem:s22+$0x20] =	vst v1;
	(pc) =	sbr.rel @p1 .LBB2_3-.Ltmp2, $4  }
0x76: {  	v1 =	vld [tilespmem:s12+$0x0];
	v4 =	vadd.f32 $1.000000000e+00, v5;
	[tilespmem:s22+$0xFFFFFFB0] =	vst v2;
	s22 =	sadd.s32 $0xA0, s22  }
0x77: {  	v6 =	vadd.f32 $1.000000000e+00, v6;
	v2 =	vld [tilespmem:s12+$0x10];
	[tilespmem:s22+$0x40] =	vst v3  }
0x78: {  	v5 =	vadd.f32 $1.000000000e+00, v8;
	v3 =	vld [tilespmem:s12+$0x20];
	[tilespmem:s16+$0x11280] =	vst v4  }
0x79: {  	s15 =	sadd.s32 $0xA0, s15;
	v4 =	vld [tilespmem:s12+$0xFFFFFFB0];
	[tilespmem:s22+$0xFFFFFFC0] =	vst v6;
	v6 =	vadd.f32 $1.000000000e+00, v9;
	s12 =	sadd.s32 $0xA0, s12  }
0x7a: {  	[tilespmem:s22+$0xFFFFFFD0] =	vst v5;
	v0 =	vadd.f32 $1.000000000e+00, v0  }
0x7b: {  	[tilespmem:s22+$0xFFFFFFE0] =	vst v6;
	v1 =	vadd.f32 $1.000000000e+00, v1  }
0x7c: {  	[tilespmem:s22+$0xFFFFFFF0] =	vst v0;
	v0 =	vadd.f32 $1.000000000e+00, v2  }
0x7d: {  	[tilespmem:s22+$0x0] =	vst v1;
	v1 =	vadd.f32 $1.000000000e+00, v3  }
0x7e: {  	s11 =	sadd.s32 s13, s18;
	v2 =	vadd.f32 $1.000000000e+00, v4;
	[tilespmem:s22+$0x10] =	vst v0  }
0x7f: {  	s11 =	sshrl.u32 s11, $0x3;
	[tilespmem:s22+$0x20] =	vst v1  }
0x80: {  	s11 =	sadd.s32 s5, s11;
	[tilespmem:s22+$0xFFFFFFB0] =	vst v2  }
0x81: {  	[hbm4b:s11+s7] =	stream.linear.scatter [tilespmem:s26], [sflag:$0x3], $0xFA0, $0x38;
	[tilespmem:$0x17A80] =	vst v63  }
0x82: {  	_ = 	snop  }
0x83: {  	[spmem:s6] =	stream.indirect.scatter.add.f32 [tilespmem:s26], [sflag:$0x5], $0x1, s30, s28, $0xb8;
	[tilespmem:$0x17A80] =	vst v63  }
0x84: {  	_ =	swait.ge [sflag:s8], $0xFA0  }
0x85: {  	[sflag:s8] =	ssyncset.done $0x0  }
0x86: {  	[sflag:s8] =	ssyncadd.s32 $0xFFFFF060  }
0x87: {  	_ =	swait.ge [sflag:s8], $0xFA0  }
0x88: {  	[sflag:s8] =	ssyncset.done $0x0  }
0x89: {  	[sflag:s8] =	ssyncadd.s32 $0xFFFFF060  }
0x8a: {  	_ =	swait.ge [sflag:s8], $0xFA0  }
0x8b: {  	[sflag:s8] =	ssyncset.done $0x0  }
0x8c: {  	s11 =	simm.s32 @!p0 $0x4;
	[sflag:s8] =	ssyncadd.s32 $0xFFFFF060  }
0x8d: {  	_ =	swait.ge @!p0 [sflag:s11], $0xFA0  }
0x8e: {  	[sflag:s11] =	ssyncset.done @!p0 $0x0  }
0x8f: {  	s12 =	simm.s32 $0x12250;
	s22 =	simm.s32 $0x0;
	[sflag:s11] =	ssyncadd.s32 @!p0 $0xFFFFF060  }
0x90: {  	s11 =	sand.u32 $0xFE0, s22;
	v1 =	vld [tilespmem:s12+$0x40]  }
0x91: {  	v2 =	vld [tilespmem:s11+$0x12280]  }
0x92: {  	v3 =	vld [tilespmem:s12+$0xFFFFFFC0]  }
0x93: {  	v4 =	vld [tilespmem:s12+$0xFFFFFFD0]  }
0x94: {  	v6 =	vld [tilespmem:s12+$0xFFFFFFE0]  }
0x95: {  	v0 =	vld [tilespmem:s12+$0xFFFFFFF0];
	v5 =	vadd.f32 $1.000000000e+00, v1  }
0x96: {  	s22 =	simm.s32 $0x15250;
	v1 =	vld [tilespmem:s12+$0x0];
	v7 =	vadd.f32 $1.000000000e+00, v2  }
0x97: {  	v8 =	vadd.f32 $1.000000000e+00, v3;
	v2 =	vld [tilespmem:s12+$0x10];
	[tilespmem:s22+$0x40] =	vst v5  }
0x98: {  	v3 =	vld [tilespmem:s12+$0x20];
	[tilespmem:s11+$0x15280] =	vst v7;
	v5 =	vadd.f32 $1.000000000e+00, v4  }
0x99: {  	s15 =	simm.s32 $0xA0;
	v6 =	vadd.f32 $1.000000000e+00, v6;
	s11 =	simm.s32 $0x0;
	v4 =	vld [tilespmem:s12+$0xFFFFFFB0];
	[tilespmem:s22+$0xFFFFFFC0] =	vst v8;
	s12 =	simm.s32 $0x122F0  }
.LBB2_5:
0x9a: {  	s16 =	sand.u32 $0xFE0, s15;
	v7 =	vld [tilespmem:s12+$0x40];
	s11 =	sadd.s32 $0xA, s11;
	[tilespmem:s22+$0xFFFFFFD0] =	vst v5;
	v0 =	vadd.f32 $1.000000000e+00, v0  }
0x9b: {  	v5 =	vld [tilespmem:s16+$0x12280];
	p0 =	slt.u32 s11, $0xF0;
	[tilespmem:s22+$0xFFFFFFE0] =	vst v6;
	v1 =	vadd.f32 $1.000000000e+00, v1  }
0x9c: {  	v6 =	vld [tilespmem:s12+$0xFFFFFFC0];
	[tilespmem:s22+$0xFFFFFFF0] =	vst v0;
	v0 =	vadd.f32 $1.000000000e+00, v2  }
0x9d: {  	v8 =	vld [tilespmem:s12+$0xFFFFFFD0];
	[tilespmem:s22+$0x0] =	vst v1;
	v1 =	vadd.f32 $1.000000000e+00, v3  }
0x9e: {  	v9 =	vld [tilespmem:s12+$0xFFFFFFE0];
	v2 =	vadd.f32 $1.000000000e+00, v4;
	[tilespmem:s22+$0x10] =	vst v0  }
.Ltmp3:
0x9f: {  	v0 =	vld [tilespmem:s12+$0xFFFFFFF0];
	v3 =	vadd.f32 $1.000000000e+00, v7;
	[tilespmem:s22+$0x20] =	vst v1;
	(pc) =	sbr.rel @p0 .LBB2_5-.Ltmp3, $4  }
0xa0: {  	v1 =	vld [tilespmem:s12+$0x0];
	v4 =	vadd.f32 $1.000000000e+00, v5;
	[tilespmem:s22+$0xFFFFFFB0] =	vst v2;
	s22 =	sadd.s32 $0xA0, s22  }
0xa1: {  	v6 =	vadd.f32 $1.000000000e+00, v6;
	v2 =	vld [tilespmem:s12+$0x10];
	[tilespmem:s22+$0x40] =	vst v3  }
0xa2: {  	v5 =	vadd.f32 $1.000000000e+00, v8;
	v3 =	vld [tilespmem:s12+$0x20];
	[tilespmem:s16+$0x15280] =	vst v4  }
0xa3: {  	s15 =	sadd.s32 $0xA0, s15;
	v4 =	vld [tilespmem:s12+$0xFFFFFFB0];
	[tilespmem:s22+$0xFFFFFFC0] =	vst v6;
	v6 =	vadd.f32 $1.000000000e+00, v9;
	s12 =	sadd.s32 $0xA0, s12  }
0xa4: {  	[tilespmem:s22+$0xFFFFFFD0] =	vst v5;
	v0 =	vadd.f32 $1.000000000e+00, v0  }
0xa5: {  	[tilespmem:s22+$0xFFFFFFE0] =	vst v6;
	v1 =	vadd.f32 $1.000000000e+00, v1  }
0xa6: {  	[tilespmem:s22+$0xFFFFFFF0] =	vst v0;
	v61 =	vadd.f32 $1.000000000e+00, v2  }
0xa7: {  	[tilespmem:s22+$0x0] =	vst v1;
	v62 =	vadd.f32 $1.000000000e+00, v3  }
0xa8: {  	v63 =	vadd.f32 $1.000000000e+00, v4;
	[tilespmem:s22+$0x10] =	vst v61  }
0xa9: {  	[tilespmem:s22+$0x20] =	vst v62  }
0xaa: {  	[tilespmem:s22+$0xFFFFFFB0] =	vst v63  }
0xab: {  	p0 =	seq.s32 s17, $0x18;
	_ =	swait.ge [sflag:s9], $0xFA0  }
.Ltmp4:
0xac: {  	[sflag:s9] =	ssyncset.done $0x0;
	(pc) =	sbr.rel @p0 .LBB2_8-.Ltmp4, $4  }
0xad: {  	s11 =	sadd.s32 s5, s21;
	[sflag:s9] =	ssyncadd.s32 $0xFFFFF060  }
0xae: {  	[hbm4b:s11+s7] =	stream.linear.scatter [tilespmem:s10], [sflag:$0x4], $0xFA0, $0x38;
	[tilespmem:$0x17A80] =	vst v63  }
0xaf: {  	_ = 	snop  }
0xb0: {  	[spmem:s6] =	stream.indirect.scatter.add.f32 [tilespmem:s10], [sflag:$0x5], $0x1, s4, s28, $0xb8;
	[tilespmem:$0x17A80] =	vst v63  }
0xb1: {  	s11 =	sadd.s32 s18, s20  }
0xb2: {  	s11 =	sshrl.u32 s11, $0x3  }
0xb3: {  	s12 =	sadd.s32 s0, s11  }
0xb4: {  	[tilespmem:s29], [sflag:$0x1] =	stream.linear.gather [hbm4b:s12+s7], $0xFA0, $0x38;
	[tilespmem:$0x17A80] =	vst v63  }
.Ltmp5:
0xb5: {  	_ = 	snop;
	(pc) =	sbr.rel .LBB2_2-.Ltmp5, $4  }
0xb6: {  	s22 =	sadd.s32 s2, s11  }
0xb7: {  	[tilespmem:s30], [sflag:$0x1] =	stream.linear.gather [hbm4b:s22+s7], $0xFA0, $0x38;
	[tilespmem:$0x17A80] =	vst v63  }
0xb8: {  	s17 =	sadd.s32 $0x1, s17;
	s11 =	sadd.s32 s3, s11  }
0xb9: {  	[tilespmem:s31], [sflag:$0x1] =	stream.linear.gather [hbm4b:s11+s7], $0xFA0, $0x38;
	[tilespmem:$0x17A80] =	vst v63  }
.LBB2_9:
0xba: {  	_ =	sfence.sel $0x180000  }
0xbb: {  	[bflag:$0x0] =	sbarrier.arrive $0xFFFF  }
0xbc: {  	_ =	strace $0x90000047  }
0xbd: {  	s0 =	stileid.u32;
	[bflag:$0x2] =	sbarrier.arrive $0xFFFF  }
0xbe: {  	p0 =	sne.s32 s0, $0x0;
	s0 =	rddreg [dreg:$0x7]  }
0xbf: {  	s0 =	sadd.s32 @!p0 $0x100000, s0  }
0xc0: {  	[sflag:s0] =	ssyncadd.tile.s32 @!p0 $0x1;
	_ =	shalt  }
.Lfunc_end2:
_tile_overlayer_lowered:
.L_overlay_start_2:
0xc1: {  	(tag) =	ssettag $0x2  }
0xc2: {  	s0 =	rddreg [dreg:$0x0];
	s2 =	stileid.u32  }
0xc3: {  	s1 =	rddreg [dreg:$0x1];
	p0 =	sne.s32 s2, $0x0  }
0xc4: {  	s3 =	rddreg [dreg:$0x2];
	[bflag:$0x3] =	sbarrier.arrive $0xFFFF;
	s2 =	simm.s32 @!p0 $0x1C06  }
0xc5: {  	[timem:s3], [sflag:s2] =	dma.local @!p0 [hbm:s0], s1  }
0xc6: {  	s0 =	simm.s32 @!p0 $0x6  }
0xc7: {  	_ =	swait.ge @!p0 [sflag:s0], s1  }
0xc8: {  	s1 =	ssub.s32 @!p0 $0x0, s1;
	[sflag:s0] =	ssyncset.done @!p0 $0x0  }
0xc9: {  	[sflag:s0] =	ssyncadd.s32 @!p0 s1  }
0xca: {  	[bflag:$0x3] =	sbarrier.arrive $0xFFFF  }
0xcb: {  	_ =	shalt  }

</sc_bundles>
